<compile_context>
chip_gen: v7x
topology: tpu7x:2x2x1
jax: 0.10.2.dev20260603
libtpu: 0.0.44.dev20260713+nightly
codegen_flags: <defaults>
</compile_context>

<pallas_src>
import functools

import jax
import jax.numpy as jnp
from jax import lax
from jax.experimental import pallas as pl
from jax.experimental.pallas import tpu as pltpu
from jax.experimental.pallas import tpu_sc as plsc

VOCAB = 1000000
SEQ = 200
BATCH = 16384
EMB = 3
TOTAL = BATCH * SEQ

NC = 2
NS = 16
NW = NC * NS
PER_W = TOTAL // NW
CHUNK = 6400
NCHUNK = PER_W // CHUNK
KSUB = 16
SUB = CHUNK // KSUB

BROWS = 800
NBCHUNK = VOCAB // BROWS

_SCP = pltpu.CompilerParams(
    use_tc_tiling_on_sc=False, needs_layout_passes=False
)


def _mesh():
  return plsc.VectorSubcoreMesh(
      core_axis_name="c", subcore_axis_name="s", num_cores=NC, num_subcores=NS
  )


_PAT = [(16 * m + l) // 3 for m in range(3) for l in range(16)] + [
    (16 * m + l) % 3 for m in range(3) for l in range(16)
]


@functools.cache
def _make_gather():
  out1d = jax.ShapeDtypeStruct((TOTAL,), jnp.float32)

  @functools.partial(
      pl.kernel,
      mesh=_mesh(),
      out_type=(out1d, out1d, out1d),
      scratch_types=[
          pltpu.HBM((VOCAB, 8), jnp.float32),
          pltpu.VMEM((BROWS,), jnp.float32),
          pltpu.VMEM((BROWS,), jnp.float32),
          pltpu.VMEM((BROWS,), jnp.float32),
          pltpu.VMEM((BROWS, 8), jnp.float32),
          pltpu.VMEM((2, CHUNK), jnp.int32),
          pltpu.VMEM((CHUNK, 8), jnp.float32),
          pltpu.VMEM((CHUNK,), jnp.float32),
          pltpu.VMEM((CHUNK,), jnp.float32),
          pltpu.VMEM((CHUNK,), jnp.float32),
          pltpu.SemaphoreType.DMA,
          pltpu.SemaphoreType.DMA,
      ],
      compiler_params=_SCP,
  )
  def gather_kernel(x_hbm, t0_hbm, t1_hbm, t2_hbm,
                    g0_hbm, g1_hbm, g2_hbm,
                    emb_hbm, tb0, tb1, tb2, rows8, idx_v, rows_v, v0, v1, v2,
                    sem, sem_idx):
    wid = lax.axis_index("s") * NC + lax.axis_index("c")
    sid = lax.axis_index("s")
    base = wid * PER_W
    iota = lax.iota(jnp.int32, 16)
    vals = (v0, v1, v2)
    tabs = (t0_hbm, t1_hbm, t2_hbm)

    def bbody(j, _):
      c = j * NS + sid

      @pl.when(c < NBCHUNK)
      def _():
        tbs = (tb0, tb1, tb2)
        for d in range(EMB):
          pltpu.sync_copy(tabs[d].at[pl.ds(c * BROWS, BROWS)], tbs[d])

        def grp(g, _):
          rows = g * 16 + iota
          for d in range(EMB):
            w16 = tbs[d][pl.ds(g * 16, 16)]
            plsc.store_scatter(rows8, [rows, jnp.full((16,), d, jnp.int32)], w16)
          return 0

        lax.fori_loop(0, BROWS // 16, grp, 0)
        pltpu.sync_copy(rows8, emb_hbm.at[pl.ds(c * BROWS, BROWS), :])

      return 0

    lax.fori_loop(0, (NBCHUNK + NS - 1) // NS, bbody, 0)
    plsc.subcore_barrier()

    pltpu.sync_copy(x_hbm.at[pl.ds(base, CHUNK)], idx_v.at[0])

    def body(j, _):
      o = base + j * CHUNK
      sel = lax.rem(j, 2)
      cps = []
      for i in range(KSUB):
        cps.append(
            pltpu.async_copy(
                emb_hbm.at[idx_v.at[sel, pl.ds(i * SUB, SUB)]],
                rows_v.at[pl.ds(i * SUB, SUB), :],
                sem,
            )
        )
      @pl.when(j + 1 < NCHUNK)
      def _():
        pltpu.async_copy(
            x_hbm.at[pl.ds(o + CHUNK, CHUNK)],
            idx_v.at[lax.rem(j + 1, 2)],
            sem_idx,
        ).wait()

      for cp in cps:
        cp.wait()

      def grp(g, _):
        rows = g * 16 + iota
        for d in range(EMB):
          x16 = plsc.load_gather(rows_v, [rows, jnp.full((16,), d, jnp.int32)])
          vals[d][pl.ds(g * 16, 16)] = x16
        return 0

      lax.fori_loop(0, CHUNK // 16, grp, 0)
      for d in range(EMB):
        pltpu.sync_copy(vals[d], (g0_hbm, g1_hbm, g2_hbm)[d].at[pl.ds(o, CHUNK)])
      return 0

    lax.fori_loop(0, NCHUNK, body, 0)

  return gather_kernel


BB = 1024


def _mlp_body(g0_ref, g1_ref, g2_ref, w10_ref, w11_ref, w12_ref, b1_ref,
              w2_ref, b2_ref, w3_ref, b3_ref, o_ref):
  h = jnp.dot(g0_ref[...], w10_ref[...], preferred_element_type=jnp.float32)
  h += jnp.dot(g1_ref[...], w11_ref[...], preferred_element_type=jnp.float32)
  h += jnp.dot(g2_ref[...], w12_ref[...], preferred_element_type=jnp.float32)
  h = jnp.maximum(h + b1_ref[...], 0.0)
  h = jnp.dot(h, w2_ref[...], preferred_element_type=jnp.float32) + b2_ref[...]
  h = jnp.maximum(h, 0.0)
  z = jnp.dot(h, w3_ref[...], preferred_element_type=jnp.float32) + b3_ref[...]
  o_ref[...] = 1.0 / (1.0 + jnp.exp(-z))


def _mlp(g0, g1, g2, w10, w11, w12, b1, w2t, b2, w3t, b3):
  grid = BATCH // BB
  gspec = pl.BlockSpec((BB, SEQ), lambda i: (i, 0))
  full = lambda shape: pl.BlockSpec(shape, lambda i: (0, 0))
  return pl.pallas_call(
      _mlp_body,
      grid=(grid,),
      in_specs=[
          gspec, gspec, gspec,
          full((SEQ, 10)), full((SEQ, 10)), full((SEQ, 10)),
          full((1, 10)),
          full((10, 5)),
          full((1, 5)),
          full((5, 3)),
          full((1, 3)),
      ],
      out_specs=pl.BlockSpec((BB, 3), lambda i: (i, 0)),
      out_shape=jax.ShapeDtypeStruct((BATCH, 3), jnp.float32),
  )(g0, g1, g2, w10, w11, w12, b1, w2t, b2, w3t, b3)


@jax.jit
def kernel(x, emb, W1, b1, W2, b2, W3, b3):
  x_flat = x.astype(jnp.int32).reshape(TOTAL)
  g0, g1, g2 = _make_gather()(
      x_flat, jnp.asarray(emb[:, 0]), jnp.asarray(emb[:, 1]),
      jnp.asarray(emb[:, 2])
  )
  w1r = W1.reshape(10, SEQ, EMB)
  return _mlp(
      g0.reshape(BATCH, SEQ),
      g1.reshape(BATCH, SEQ),
      g2.reshape(BATCH, SEQ),
      w1r[:, :, 0].T,
      w1r[:, :, 1].T,
      w1r[:, :, 2].T,
      b1.reshape(1, 10),
      W2.T,
      b2.reshape(1, 5),
      W3.T,
      b3.reshape(1, 3),
  )

# --- scband reference (transcript-rebuilt; emitter-appended) ---
"""Pipeline reference for scband-email-classifier-70609262346461 (READ-ONLY COPY).

The authoritative reference and input builder live on the scoring server;
editing this copy changes nothing except your own understanding.
"""

import jax, jax.numpy as jnp
import numpy as np

VOCAB = 1000000
SEQ = 200
BATCH = 16384
EMB_DIM = 3

def setup_inputs(seed: int = 0) -> dict:
    key = jax.random.key(seed)
    ks = jax.random.split(key, 8)
    x = jax.random.randint(ks[0], (BATCH, SEQ), 0, VOCAB, dtype=jnp.int64 if jax.config.jax_enable_x64 else jnp.int32)
    emb = jax.random.normal(ks[1], (VOCAB, EMB_DIM), dtype=jnp.float32)
    W1 = jax.random.normal(ks[2], (10, EMB_DIM * SEQ), dtype=jnp.float32) * 0.02
    b1 = jnp.zeros((10,), dtype=jnp.float32)
    W2 = jax.random.normal(ks[3], (5, 10), dtype=jnp.float32) * 0.1
    b2 = jnp.zeros((5,), dtype=jnp.float32)
    W3 = jax.random.normal(ks[4], (3, 5), dtype=jnp.float32) * 0.1
    b3 = jnp.zeros((3,), dtype=jnp.float32)
    return {"x": x, "emb": emb, "W1": W1, "b1": b1, "W2": W2, "b2": b2, "W3": W3, "b3": b3}

def reference(x, emb, W1, b1, W2, b2, W3, b3):
    h = jnp.take(emb, x, axis=0)            # [B, SEQ, EMB_DIM] gather
    h = h.reshape(h.shape[0], -1)           # [B, SEQ*EMB_DIM]
    h = jax.nn.relu(h @ W1.T + b1)          # [B, 10]
    h = jax.nn.relu(h @ W2.T + b2)          # [B, 5]
    out = jax.nn.sigmoid(h @ W3.T + b3)     # [B, 3]
    return out

if __name__ == "__main__":
    import jax
    _d = setup_inputs()
    print(jax.jit(kernel)(*tuple(_d.values())))

</pallas_src>

<mosaic_0001>
#map = affine_map<(d0, d1) -> (0)>
module attributes {stable_mosaic.version = 14 : i64} {
  func.func @gather_kernel(%arg0: i32, %arg1: i32, %arg2: memref<3276800xi32, #tpu.memory_space<hbm>>, %arg3: memref<1000000xf32, #tpu.memory_space<hbm>>, %arg4: memref<1000000xf32, #tpu.memory_space<hbm>>, %arg5: memref<1000000xf32, #tpu.memory_space<hbm>>, %arg6: memref<3276800xf32, #tpu.memory_space<hbm>>, %arg7: memref<3276800xf32, #tpu.memory_space<hbm>>, %arg8: memref<3276800xf32, #tpu.memory_space<hbm>>, %arg9: memref<1000000x8xf32, #tpu.memory_space<hbm>>, %arg10: memref<800xf32, #tpu.memory_space<vmem>>, %arg11: memref<800xf32, #tpu.memory_space<vmem>>, %arg12: memref<800xf32, #tpu.memory_space<vmem>>, %arg13: memref<800x8xf32, #tpu.memory_space<vmem>>, %arg14: memref<2x6400xi32, #tpu.memory_space<vmem>>, %arg15: memref<6400x8xf32, #tpu.memory_space<vmem>>, %arg16: memref<6400xf32, #tpu.memory_space<vmem>>, %arg17: memref<6400xf32, #tpu.memory_space<vmem>>, %arg18: memref<6400xf32, #tpu.memory_space<vmem>>, %arg19: memref<!tpu.dma_semaphore, #tpu.memory_space<semaphore_mem>>, %arg20: memref<!tpu.dma_semaphore, #tpu.memory_space<semaphore_mem>>) attributes {dimension_semantics = [#tpu.dimension_semantics<core_parallel>, #tpu.dimension_semantics<subcore_parallel>], iteration_bounds = array<i64: 2, 16>, scalar_prefetch = 0 : i64, scratch_operands = 12 : i64, tpu.core_type = #tpu.core_type<sc_vector_subcore>, window_params = [{transform_indices = #map}, {transform_indices = #map}, {transform_indices = #map}, {transform_indices = #map}, {transform_indices = #map}, {transform_indices = #map}, {transform_indices = #map}]} {
    %mul3A = arith.constant 2 : i32
    %mul3A_0 = arith.muli %arg1, %mul3A : i32
    %add3A = arith.addi %mul3A_0, %arg0 : i32
    %mul3A_1 = arith.constant 102400 : i32
    %mul3A_2 = arith.muli %add3A, %mul3A_1 : i32
    %iota3A = tpu.iota {dimensions = array<i32: 0>} : vector<16xi32>
    %scan3A = arith.constant 0 : i32
    %scan3A_3 = arith.constant 0 : i32
    %scan3A_4 = arith.constant 79 : i32
    %scan3A_5 = arith.addi %scan3A_3, %scan3A_4 : i32
    %scan3A_6 = arith.constant 1 : i32
    %scan3A_7 = scf.for %scan3A_16 = %scan3A_3 to %scan3A_5 step %scan3A_6 iter_args(%scan3A_17 = %scan3A) -> (i32)  : i32 {
      %mul3A_18 = arith.constant 16 : i32
      %mul3A_19 = arith.muli %scan3A_16, %mul3A_18 : i32
      %add3A_20 = arith.addi %mul3A_19, %arg1 : i32
      %lt3A = arith.constant 1250 : i32
      %lt3A_21 = arith.cmpi slt, %add3A_20, %lt3A : i32
      %convert_element_type3A = arith.extui %lt3A_21 : i1 to i32
      %cond3A = arith.constant 0 : i32
      %cond3A_22 = arith.cmpi ne, %convert_element_type3A, %cond3A : i32
      scf.if %cond3A_22 {
        %mul3A_24 = arith.constant 800 : i32
        %mul3A_25 = arith.muli %add3A_20, %mul3A_24 : i32
        "tpu.region"() ({
          %run_scoped3A_39 = tpu.sem_alloc : memref<!tpu.dma_semaphore, #tpu.memory_space<semaphore_mem>>
          %dma_start3A = tpu.memref_slice %arg3[%mul3A_25] : memref<1000000xf32, #tpu.memory_space<hbm>> -> memref<800xf32, #tpu.memory_space<hbm>>
          %dma_start3A_40 = tpu.memref_slice %arg3[%mul3A_25] : memref<1000000xf32, #tpu.memory_space<hbm>> -> memref<800xf32, #tpu.memory_space<hbm>>
          tpu.enqueue_dma source(%dma_start3A_40 : memref<800xf32, #tpu.memory_space<hbm>>) target(%arg10 : memref<800xf32, #tpu.memory_space<vmem>>) target_semaphore(%run_scoped3A_39 : memref<!tpu.dma_semaphore, #tpu.memory_space<semaphore_mem>>)
          %dma_wait3A = tpu.memref_slice %arg3[%mul3A_25] : memref<1000000xf32, #tpu.memory_space<hbm>> -> memref<800xf32, #tpu.memory_space<hbm>>
          %dma_wait3A_41 = tpu.memref_slice %arg3[%mul3A_25] : memref<1000000xf32, #tpu.memory_space<hbm>> -> memref<800xf32, #tpu.memory_space<hbm>>
          tpu.wait_dma2 semaphore(%run_scoped3A_39 : memref<!tpu.dma_semaphore, #tpu.memory_space<semaphore_mem>>) src(%dma_wait3A_41 : memref<800xf32, #tpu.memory_space<hbm>>) dst(%arg10 : memref<800xf32, #tpu.memory_space<vmem>>)
          tpu.yield
        }) : () -> ()
        %mul3A_26 = arith.constant 800 : i32
        %mul3A_27 = arith.muli %add3A_20, %mul3A_26 : i32
        "tpu.region"() ({
          %run_scoped3A_39 = tpu.sem_alloc : memref<!tpu.dma_semaphore, #tpu.memory_space<semaphore_mem>>
          %dma_start3A = tpu.memref_slice %arg4[%mul3A_27] : memref<1000000xf32, #tpu.memory_space<hbm>> -> memref<800xf32, #tpu.memory_space<hbm>>
          %dma_start3A_40 = tpu.memref_slice %arg4[%mul3A_27] : memref<1000000xf32, #tpu.memory_space<hbm>> -> memref<800xf32, #tpu.memory_space<hbm>>
          tpu.enqueue_dma source(%dma_start3A_40 : memref<800xf32, #tpu.memory_space<hbm>>) target(%arg11 : memref<800xf32, #tpu.memory_space<vmem>>) target_semaphore(%run_scoped3A_39 : memref<!tpu.dma_semaphore, #tpu.memory_space<semaphore_mem>>)
          %dma_wait3A = tpu.memref_slice %arg4[%mul3A_27] : memref<1000000xf32, #tpu.memory_space<hbm>> -> memref<800xf32, #tpu.memory_space<hbm>>
          %dma_wait3A_41 = tpu.memref_slice %arg4[%mul3A_27] : memref<1000000xf32, #tpu.memory_space<hbm>> -> memref<800xf32, #tpu.memory_space<hbm>>
          tpu.wait_dma2 semaphore(%run_scoped3A_39 : memref<!tpu.dma_semaphore, #tpu.memory_space<semaphore_mem>>) src(%dma_wait3A_41 : memref<800xf32, #tpu.memory_space<hbm>>) dst(%arg11 : memref<800xf32, #tpu.memory_space<vmem>>)
          tpu.yield
        }) : () -> ()
        %mul3A_28 = arith.constant 800 : i32
        %mul3A_29 = arith.muli %add3A_20, %mul3A_28 : i32
        "tpu.region"() ({
          %run_scoped3A_39 = tpu.sem_alloc : memref<!tpu.dma_semaphore, #tpu.memory_space<semaphore_mem>>
          %dma_start3A = tpu.memref_slice %arg5[%mul3A_29] : memref<1000000xf32, #tpu.memory_space<hbm>> -> memref<800xf32, #tpu.memory_space<hbm>>
          %dma_start3A_40 = tpu.memref_slice %arg5[%mul3A_29] : memref<1000000xf32, #tpu.memory_space<hbm>> -> memref<800xf32, #tpu.memory_space<hbm>>
          tpu.enqueue_dma source(%dma_start3A_40 : memref<800xf32, #tpu.memory_space<hbm>>) target(%arg12 : memref<800xf32, #tpu.memory_space<vmem>>) target_semaphore(%run_scoped3A_39 : memref<!tpu.dma_semaphore, #tpu.memory_space<semaphore_mem>>)
          %dma_wait3A = tpu.memref_slice %arg5[%mul3A_29] : memref<1000000xf32, #tpu.memory_space<hbm>> -> memref<800xf32, #tpu.memory_space<hbm>>
          %dma_wait3A_41 = tpu.memref_slice %arg5[%mul3A_29] : memref<1000000xf32, #tpu.memory_space<hbm>> -> memref<800xf32, #tpu.memory_space<hbm>>
          tpu.wait_dma2 semaphore(%run_scoped3A_39 : memref<!tpu.dma_semaphore, #tpu.memory_space<semaphore_mem>>) src(%dma_wait3A_41 : memref<800xf32, #tpu.memory_space<hbm>>) dst(%arg12 : memref<800xf32, #tpu.memory_space<vmem>>)
          tpu.yield
        }) : () -> ()
        %scan3A_30 = arith.constant 0 : i32
        %scan3A_31 = arith.constant 0 : i32
        %scan3A_32 = arith.constant 50 : i32
        %scan3A_33 = arith.addi %scan3A_31, %scan3A_32 : i32
        %scan3A_34 = arith.constant 1 : i32
        %scan3A_35 = scf.for %scan3A_39 = %scan3A_31 to %scan3A_33 step %scan3A_34 iter_args(%scan3A_40 = %scan3A_30) -> (i32)  : i32 {
          %mul3A_41 = arith.constant 16 : i32
          %mul3A_42 = arith.muli %scan3A_39, %mul3A_41 : i32
          %add3A_43 = vector.broadcast %mul3A_42 : i32 to vector<16xi32>
          %add3A_44 = arith.addi %add3A_43, %iota3A : vector<16xi32>
          %mul3A_45 = arith.constant 16 : i32
          %mul3A_46 = arith.muli %scan3A_39, %mul3A_45 : i32
          %get3A = arith.index_cast %mul3A_46 : i32 to index
          %get3A_47 = tpu.vector_load %arg10[%get3A] {strides = array<i32>} : memref<800xf32, #tpu.memory_space<vmem>>, vector<16xf32>,
          %broadcast_in_dim3A = arith.constant 0 : i32
          %broadcast_in_dim3A_48 = vector.broadcast %broadcast_in_dim3A : i32 to vector<16xi32>
          tpu.vector_store_idx %arg13[%add3A_44, %broadcast_in_dim3A_48], %get3A_47 : memref<800x8xf32, #tpu.memory_space<vmem>>[vector<16xi32>, vector<16xi32>], vector<16xf32>,
          %mul3A_49 = arith.constant 16 : i32
          %mul3A_50 = arith.muli %scan3A_39, %mul3A_49 : i32
          %get3A_51 = arith.index_cast %mul3A_50 : i32 to index
          %get3A_52 = tpu.vector_load %arg11[%get3A_51] {strides = array<i32>} : memref<800xf32, #tpu.memory_space<vmem>>, vector<16xf32>,
          %broadcast_in_dim3A_53 = arith.constant 1 : i32
          %broadcast_in_dim3A_54 = vector.broadcast %broadcast_in_dim3A_53 : i32 to vector<16xi32>
          tpu.vector_store_idx %arg13[%add3A_44, %broadcast_in_dim3A_54], %get3A_52 : memref<800x8xf32, #tpu.memory_space<vmem>>[vector<16xi32>, vector<16xi32>], vector<16xf32>,
          %mul3A_55 = arith.constant 16 : i32
          %mul3A_56 = arith.muli %scan3A_39, %mul3A_55 : i32
          %get3A_57 = arith.index_cast %mul3A_56 : i32 to index
          %get3A_58 = tpu.vector_load %arg12[%get3A_57] {strides = array<i32>} : memref<800xf32, #tpu.memory_space<vmem>>, vector<16xf32>,
          %broadcast_in_dim3A_59 = arith.constant 2 : i32
          %broadcast_in_dim3A_60 = vector.broadcast %broadcast_in_dim3A_59 : i32 to vector<16xi32>
          tpu.vector_store_idx %arg13[%add3A_44, %broadcast_in_dim3A_60], %get3A_58 : memref<800x8xf32, #tpu.memory_space<vmem>>[vector<16xi32>, vector<16xi32>], vector<16xf32>,
          %scan3A_61 = arith.constant 0 : i32
          scf.yield %scan3A_61 : i32
        }
        %scan3A_36 = arith.constant 50 : i32
        %mul3A_37 = arith.constant 800 : i32
        %mul3A_38 = arith.muli %add3A_20, %mul3A_37 : i32
        "tpu.region"() ({
          %run_scoped3A_39 = tpu.sem_alloc : memref<!tpu.dma_semaphore, #tpu.memory_space<semaphore_mem>>
          %dma_start3A = arith.constant 0 : i32
          %dma_start3A_40 = tpu.memref_slice %arg9[%mul3A_38, %dma_start3A] : memref<1000000x8xf32, #tpu.memory_space<hbm>> -> memref<800x8xf32, #tpu.memory_space<hbm>>
          %dma_start3A_41 = arith.constant 0 : i32
          %dma_start3A_42 = tpu.memref_slice %arg9[%mul3A_38, %dma_start3A_41] : memref<1000000x8xf32, #tpu.memory_space<hbm>> -> memref<800x8xf32, #tpu.memory_space<hbm>>
          tpu.enqueue_dma source(%arg13 : memref<800x8xf32, #tpu.memory_space<vmem>>) target(%dma_start3A_42 : memref<800x8xf32, #tpu.memory_space<hbm>>) target_semaphore(%run_scoped3A_39 : memref<!tpu.dma_semaphore, #tpu.memory_space<semaphore_mem>>)
          %dma_wait3A = arith.constant 0 : i32
          %dma_wait3A_43 = tpu.memref_slice %arg9[%mul3A_38, %dma_wait3A] : memref<1000000x8xf32, #tpu.memory_space<hbm>> -> memref<800x8xf32, #tpu.memory_space<hbm>>
          %dma_wait3A_44 = arith.constant 0 : i32
          %dma_wait3A_45 = tpu.memref_slice %arg9[%mul3A_38, %dma_wait3A_44] : memref<1000000x8xf32, #tpu.memory_space<hbm>> -> memref<800x8xf32, #tpu.memory_space<hbm>>
          tpu.wait_dma2 semaphore(%run_scoped3A_39 : memref<!tpu.dma_semaphore, #tpu.memory_space<semaphore_mem>>) src(%arg13 : memref<800x8xf32, #tpu.memory_space<vmem>>) dst(%dma_wait3A_45 : memref<800x8xf32, #tpu.memory_space<hbm>>)
          tpu.yield
        }) : () -> ()
      } else {
      }
      %scan3A_23 = arith.constant 0 : i32
      scf.yield %scan3A_23 : i32
    }
    %scan3A_8 = arith.constant 79 : i32
    %barrier3A = arith.constant 0 : index
    tpu.barrier barrier_id(%barrier3A)
    %run_scoped3A = arith.constant 0 : i32
    "tpu.region"() ({
      %run_scoped3A_16 = tpu.sem_alloc : memref<!tpu.dma_semaphore, #tpu.memory_space<semaphore_mem>>
      %dma_start3A = arith.constant 0 : i32
      %dma_start3A_17 = tpu.memref_slice %arg14[%run_scoped3A, %dma_start3A] : memref<2x6400xi32, #tpu.memory_space<vmem>> -> memref<1x6400xi32, #tpu.memory_space<vmem>>
      %dma_start3A_18 = tpu.memref_squeeze %dma_start3A_17 : memref<1x6400xi32, #tpu.memory_space<vmem>> -> memref<6400xi32, #tpu.memory_space<vmem>>
      %dma_start3A_19 = tpu.memref_slice %arg2[%mul3A_2] : memref<3276800xi32, #tpu.memory_space<hbm>> -> memref<6400xi32, #tpu.memory_space<hbm>>
      %dma_start3A_20 = arith.constant 0 : i32
      %dma_start3A_21 = tpu.memref_slice %arg14[%run_scoped3A, %dma_start3A_20] : memref<2x6400xi32, #tpu.memory_space<vmem>> -> memref<1x6400xi32, #tpu.memory_space<vmem>>
      %dma_start3A_22 = tpu.memref_squeeze %dma_start3A_21 : memref<1x6400xi32, #tpu.memory_space<vmem>> -> memref<6400xi32, #tpu.memory_space<vmem>>
      %dma_start3A_23 = tpu.memref_slice %arg2[%mul3A_2] : memref<3276800xi32, #tpu.memory_space<hbm>> -> memref<6400xi32, #tpu.memory_space<hbm>>
      tpu.enqueue_dma source(%dma_start3A_23 : memref<6400xi32, #tpu.memory_space<hbm>>) target(%dma_start3A_22 : memref<6400xi32, #tpu.memory_space<vmem>>) target_semaphore(%run_scoped3A_16 : memref<!tpu.dma_semaphore, #tpu.memory_space<semaphore_mem>>)
      %dma_wait3A = arith.constant 0 : i32
      %dma_wait3A_24 = tpu.memref_slice %arg14[%run_scoped3A, %dma_wait3A] : memref<2x6400xi32, #tpu.memory_space<vmem>> -> memref<1x6400xi32, #tpu.memory_space<vmem>>
      %dma_wait3A_25 = tpu.memref_squeeze %dma_wait3A_24 : memref<1x6400xi32, #tpu.memory_space<vmem>> -> memref<6400xi32, #tpu.memory_space<vmem>>
      %dma_wait3A_26 = tpu.memref_slice %arg2[%mul3A_2] : memref<3276800xi32, #tpu.memory_space<hbm>> -> memref<6400xi32, #tpu.memory_space<hbm>>
      %dma_wait3A_27 = arith.constant 0 : i32
      %dma_wait3A_28 = tpu.memref_slice %arg14[%run_scoped3A, %dma_wait3A_27] : memref<2x6400xi32, #tpu.memory_space<vmem>> -> memref<1x6400xi32, #tpu.memory_space<vmem>>
      %dma_wait3A_29 = tpu.memref_squeeze %dma_wait3A_28 : memref<1x6400xi32, #tpu.memory_space<vmem>> -> memref<6400xi32, #tpu.memory_space<vmem>>
      %dma_wait3A_30 = tpu.memref_slice %arg2[%mul3A_2] : memref<3276800xi32, #tpu.memory_space<hbm>> -> memref<6400xi32, #tpu.memory_space<hbm>>
      tpu.wait_dma2 semaphore(%run_scoped3A_16 : memref<!tpu.dma_semaphore, #tpu.memory_space<semaphore_mem>>) src(%dma_wait3A_30 : memref<6400xi32, #tpu.memory_space<hbm>>) dst(%dma_wait3A_29 : memref<6400xi32, #tpu.memory_space<vmem>>)
      tpu.yield
    }) : () -> ()
    %scan3A_9 = arith.constant 0 : i32
    %scan3A_10 = arith.constant 0 : i32
    %scan3A_11 = arith.constant 16 : i32
    %scan3A_12 = arith.addi %scan3A_10, %scan3A_11 : i32
    %scan3A_13 = arith.constant 1 : i32
    %scan3A_14 = scf.for %scan3A_16 = %scan3A_10 to %scan3A_12 step %scan3A_13 iter_args(%scan3A_17 = %scan3A_9) -> (i32)  : i32 {
      %mul3A_18 = arith.constant 6400 : i32
      %mul3A_19 = arith.muli %scan3A_16, %mul3A_18 : i32
      %add3A_20 = arith.addi %mul3A_2, %mul3A_19 : i32
      %rem3A = arith.constant 2 : i32
      %rem3A_21 = arith.remsi %scan3A_16, %rem3A : i32
      %dma_start3A = arith.constant 0 : i32
      %dma_start3A_22 = arith.constant 0 : i32
      %dma_start3A_23 = tpu.memref_slice %arg15[%dma_start3A, %dma_start3A_22] : memref<6400x8xf32, #tpu.memory_space<vmem>> -> memref<400x8xf32, #tpu.memory_space<vmem>>
      %dma_start3A_24 = arith.constant 0 : i32
      %dma_start3A_25 = tpu.memref_slice %arg14[%rem3A_21, %dma_start3A_24] : memref<2x6400xi32, #tpu.memory_space<vmem>> -> memref<1x400xi32, #tpu.memory_space<vmem>>
      %dma_start3A_26 = tpu.memref_squeeze %dma_start3A_25 : memref<1x400xi32, #tpu.memory_space<vmem>> -> memref<400xi32, #tpu.memory_space<vmem>>
      %dma_start3A_27 = arith.constant 0 : i32
      %dma_start3A_28 = arith.constant 0 : i32
      %dma_start3A_29 = tpu.memref_slice %arg9[%dma_start3A_27, %dma_start3A_28] : memref<1000000x8xf32, #tpu.memory_space<hbm>> -> memref<1000000x8xf32, #tpu.memory_space<hbm>>
      tpu.enqueue_indirect_dma source(%dma_start3A_29 : memref<1000000x8xf32, #tpu.memory_space<hbm>>) target(%dma_start3A_23 : memref<400x8xf32, #tpu.memory_space<vmem>>) offsets(%dma_start3A_26 : memref<400xi32, #tpu.memory_space<vmem>>) semaphore(%arg19 : memref<!tpu.dma_semaphore, #tpu.memory_space<semaphore_mem>>)
      %dma_start3A_30 = arith.constant 400 : i32
      %dma_start3A_31 = arith.constant 0 : i32
      %dma_start3A_32 = tpu.memref_slice %arg15[%dma_start3A_30, %dma_start3A_31] : memref<6400x8xf32, #tpu.memory_space<vmem>> -> memref<400x8xf32, #tpu.memory_space<vmem>>
      %dma_start3A_33 = arith.constant 400 : i32
      %dma_start3A_34 = tpu.memref_slice %arg14[%rem3A_21, %dma_start3A_33] : memref<2x6400xi32, #tpu.memory_space<vmem>> -> memref<1x400xi32, #tpu.memory_space<vmem>>
      %dma_start3A_35 = tpu.memref_squeeze %dma_start3A_34 : memref<1x400xi32, #tpu.memory_space<vmem>> -> memref<400xi32, #tpu.memory_space<vmem>>
      %dma_start3A_36 = arith.constant 0 : i32
      %dma_start3A_37 = arith.constant 0 : i32
      %dma_start3A_38 = tpu.memref_slice %arg9[%dma_start3A_36, %dma_start3A_37] : memref<1000000x8xf32, #tpu.memory_space<hbm>> -> memref<1000000x8xf32, #tpu.memory_space<hbm>>
      tpu.enqueue_indirect_dma source(%dma_start3A_38 : memref<1000000x8xf32, #tpu.memory_space<hbm>>) target(%dma_start3A_32 : memref<400x8xf32, #tpu.memory_space<vmem>>) offsets(%dma_start3A_35 : memref<400xi32, #tpu.memory_space<vmem>>) semaphore(%arg19 : memref<!tpu.dma_semaphore, #tpu.memory_space<semaphore_mem>>)
      %dma_start3A_39 = arith.constant 800 : i32
      %dma_start3A_40 = arith.constant 0 : i32
      %dma_start3A_41 = tpu.memref_slice %arg15[%dma_start3A_39, %dma_start3A_40] : memref<6400x8xf32, #tpu.memory_space<vmem>> -> memref<400x8xf32, #tpu.memory_space<vmem>>
      %dma_start3A_42 = arith.constant 800 : i32
      %dma_start3A_43 = tpu.memref_slice %arg14[%rem3A_21, %dma_start3A_42] : memref<2x6400xi32, #tpu.memory_space<vmem>> -> memref<1x400xi32, #tpu.memory_space<vmem>>
      %dma_start3A_44 = tpu.memref_squeeze %dma_start3A_43 : memref<1x400xi32, #tpu.memory_space<vmem>> -> memref<400xi32, #tpu.memory_space<vmem>>
      %dma_start3A_45 = arith.constant 0 : i32
      %dma_start3A_46 = arith.constant 0 : i32
      %dma_start3A_47 = tpu.memref_slice %arg9[%dma_start3A_45, %dma_start3A_46] : memref<1000000x8xf32, #tpu.memory_space<hbm>> -> memref<1000000x8xf32, #tpu.memory_space<hbm>>
      tpu.enqueue_indirect_dma source(%dma_start3A_47 : memref<1000000x8xf32, #tpu.memory_space<hbm>>) target(%dma_start3A_41 : memref<400x8xf32, #tpu.memory_space<vmem>>) offsets(%dma_start3A_44 : memref<400xi32, #tpu.memory_space<vmem>>) semaphore(%arg19 : memref<!tpu.dma_semaphore, #tpu.memory_space<semaphore_mem>>)
      %dma_start3A_48 = arith.constant 1200 : i32
      %dma_start3A_49 = arith.constant 0 : i32
      %dma_start3A_50 = tpu.memref_slice %arg15[%dma_start3A_48, %dma_start3A_49] : memref<6400x8xf32, #tpu.memory_space<vmem>> -> memref<400x8xf32, #tpu.memory_space<vmem>>
      %dma_start3A_51 = arith.constant 1200 : i32
      %dma_start3A_52 = tpu.memref_slice %arg14[%rem3A_21, %dma_start3A_51] : memref<2x6400xi32, #tpu.memory_space<vmem>> -> memref<1x400xi32, #tpu.memory_space<vmem>>
      %dma_start3A_53 = tpu.memref_squeeze %dma_start3A_52 : memref<1x400xi32, #tpu.memory_space<vmem>> -> memref<400xi32, #tpu.memory_space<vmem>>
      %dma_start3A_54 = arith.constant 0 : i32
      %dma_start3A_55 = arith.constant 0 : i32
      %dma_start3A_56 = tpu.memref_slice %arg9[%dma_start3A_54, %dma_start3A_55] : memref<1000000x8xf32, #tpu.memory_space<hbm>> -> memref<1000000x8xf32, #tpu.memory_space<hbm>>
      tpu.enqueue_indirect_dma source(%dma_start3A_56 : memref<1000000x8xf32, #tpu.memory_space<hbm>>) target(%dma_start3A_50 : memref<400x8xf32, #tpu.memory_space<vmem>>) offsets(%dma_start3A_53 : memref<400xi32, #tpu.memory_space<vmem>>) semaphore(%arg19 : memref<!tpu.dma_semaphore, #tpu.memory_space<semaphore_mem>>)
      %dma_start3A_57 = arith.constant 1600 : i32
      %dma_start3A_58 = arith.constant 0 : i32
      %dma_start3A_59 = tpu.memref_slice %arg15[%dma_start3A_57, %dma_start3A_58] : memref<6400x8xf32, #tpu.memory_space<vmem>> -> memref<400x8xf32, #tpu.memory_space<vmem>>
      %dma_start3A_60 = arith.constant 1600 : i32
      %dma_start3A_61 = tpu.memref_slice %arg14[%rem3A_21, %dma_start3A_60] : memref<2x6400xi32, #tpu.memory_space<vmem>> -> memref<1x400xi32, #tpu.memory_space<vmem>>
      %dma_start3A_62 = tpu.memref_squeeze %dma_start3A_61 : memref<1x400xi32, #tpu.memory_space<vmem>> -> memref<400xi32, #tpu.memory_space<vmem>>
      %dma_start3A_63 = arith.constant 0 : i32
      %dma_start3A_64 = arith.constant 0 : i32
      %dma_start3A_65 = tpu.memref_slice %arg9[%dma_start3A_63, %dma_start3A_64] : memref<1000000x8xf32, #tpu.memory_space<hbm>> -> memref<1000000x8xf32, #tpu.memory_space<hbm>>
      tpu.enqueue_indirect_dma source(%dma_start3A_65 : memref<1000000x8xf32, #tpu.memory_space<hbm>>) target(%dma_start3A_59 : memref<400x8xf32, #tpu.memory_space<vmem>>) offsets(%dma_start3A_62 : memref<400xi32, #tpu.memory_space<vmem>>) semaphore(%arg19 : memref<!tpu.dma_semaphore, #tpu.memory_space<semaphore_mem>>)
      %dma_start3A_66 = arith.constant 2000 : i32
      %dma_start3A_67 = arith.constant 0 : i32
      %dma_start3A_68 = tpu.memref_slice %arg15[%dma_start3A_66, %dma_start3A_67] : memref<6400x8xf32, #tpu.memory_space<vmem>> -> memref<400x8xf32, #tpu.memory_space<vmem>>
      %dma_start3A_69 = arith.constant 2000 : i32
      %dma_start3A_70 = tpu.memref_slice %arg14[%rem3A_21, %dma_start3A_69] : memref<2x6400xi32, #tpu.memory_space<vmem>> -> memref<1x400xi32, #tpu.memory_space<vmem>>
      %dma_start3A_71 = tpu.memref_squeeze %dma_start3A_70 : memref<1x400xi32, #tpu.memory_space<vmem>> -> memref<400xi32, #tpu.memory_space<vmem>>
      %dma_start3A_72 = arith.constant 0 : i32
      %dma_start3A_73 = arith.constant 0 : i32
      %dma_start3A_74 = tpu.memref_slice %arg9[%dma_start3A_72, %dma_start3A_73] : memref<1000000x8xf32, #tpu.memory_space<hbm>> -> memref<1000000x8xf32, #tpu.memory_space<hbm>>
      tpu.enqueue_indirect_dma source(%dma_start3A_74 : memref<1000000x8xf32, #tpu.memory_space<hbm>>) target(%dma_start3A_68 : memref<400x8xf32, #tpu.memory_space<vmem>>) offsets(%dma_start3A_71 : memref<400xi32, #tpu.memory_space<vmem>>) semaphore(%arg19 : memref<!tpu.dma_semaphore, #tpu.memory_space<semaphore_mem>>)
      %dma_start3A_75 = arith.constant 2400 : i32
      %dma_start3A_76 = arith.constant 0 : i32
      %dma_start3A_77 = tpu.memref_slice %arg15[%dma_start3A_75, %dma_start3A_76] : memref<6400x8xf32, #tpu.memory_space<vmem>> -> memref<400x8xf32, #tpu.memory_space<vmem>>
      %dma_start3A_78 = arith.constant 2400 : i32
      %dma_start3A_79 = tpu.memref_slice %arg14[%rem3A_21, %dma_start3A_78] : memref<2x6400xi32, #tpu.memory_space<vmem>> -> memref<1x400xi32, #tpu.memory_space<vmem>>
      %dma_start3A_80 = tpu.memref_squeeze %dma_start3A_79 : memref<1x400xi32, #tpu.memory_space<vmem>> -> memref<400xi32, #tpu.memory_space<vmem>>
      %dma_start3A_81 = arith.constant 0 : i32
      %dma_start3A_82 = arith.constant 0 : i32
      %dma_start3A_83 = tpu.memref_slice %arg9[%dma_start3A_81, %dma_start3A_82] : memref<1000000x8xf32, #tpu.memory_space<hbm>> -> memref<1000000x8xf32, #tpu.memory_space<hbm>>
      tpu.enqueue_indirect_dma source(%dma_start3A_83 : memref<1000000x8xf32, #tpu.memory_space<hbm>>) target(%dma_start3A_77 : memref<400x8xf32, #tpu.memory_space<vmem>>) offsets(%dma_start3A_80 : memref<400xi32, #tpu.memory_space<vmem>>) semaphore(%arg19 : memref<!tpu.dma_semaphore, #tpu.memory_space<semaphore_mem>>)
      %dma_start3A_84 = arith.constant 2800 : i32
      %dma_start3A_85 = arith.constant 0 : i32
      %dma_start3A_86 = tpu.memref_slice %arg15[%dma_start3A_84, %dma_start3A_85] : memref<6400x8xf32, #tpu.memory_space<vmem>> -> memref<400x8xf32, #tpu.memory_space<vmem>>
      %dma_start3A_87 = arith.constant 2800 : i32
      %dma_start3A_88 = tpu.memref_slice %arg14[%rem3A_21, %dma_start3A_87] : memref<2x6400xi32, #tpu.memory_space<vmem>> -> memref<1x400xi32, #tpu.memory_space<vmem>>
      %dma_start3A_89 = tpu.memref_squeeze %dma_start3A_88 : memref<1x400xi32, #tpu.memory_space<vmem>> -> memref<400xi32, #tpu.memory_space<vmem>>
      %dma_start3A_90 = arith.constant 0 : i32
      %dma_start3A_91 = arith.constant 0 : i32
      %dma_start3A_92 = tpu.memref_slice %arg9[%dma_start3A_90, %dma_start3A_91] : memref<1000000x8xf32, #tpu.memory_space<hbm>> -> memref<1000000x8xf32, #tpu.memory_space<hbm>>
      tpu.enqueue_indirect_dma source(%dma_start3A_92 : memref<1000000x8xf32, #tpu.memory_space<hbm>>) target(%dma_start3A_86 : memref<400x8xf32, #tpu.memory_space<vmem>>) offsets(%dma_start3A_89 : memref<400xi32, #tpu.memory_space<vmem>>) semaphore(%arg19 : memref<!tpu.dma_semaphore, #tpu.memory_space<semaphore_mem>>)
      %dma_start3A_93 = arith.constant 3200 : i32
      %dma_start3A_94 = arith.constant 0 : i32
      %dma_start3A_95 = tpu.memref_slice %arg15[%dma_start3A_93, %dma_start3A_94] : memref<6400x8xf32, #tpu.memory_space<vmem>> -> memref<400x8xf32, #tpu.memory_space<vmem>>
      %dma_start3A_96 = arith.constant 3200 : i32
      %dma_start3A_97 = tpu.memref_slice %arg14[%rem3A_21, %dma_start3A_96] : memref<2x6400xi32, #tpu.memory_space<vmem>> -> memref<1x400xi32, #tpu.memory_space<vmem>>
      %dma_start3A_98 = tpu.memref_squeeze %dma_start3A_97 : memref<1x400xi32, #tpu.memory_space<vmem>> -> memref<400xi32, #tpu.memory_space<vmem>>
      %dma_start3A_99 = arith.constant 0 : i32
      %dma_start3A_100 = arith.constant 0 : i32
      %dma_start3A_101 = tpu.memref_slice %arg9[%dma_start3A_99, %dma_start3A_100] : memref<1000000x8xf32, #tpu.memory_space<hbm>> -> memref<1000000x8xf32, #tpu.memory_space<hbm>>
      tpu.enqueue_indirect_dma source(%dma_start3A_101 : memref<1000000x8xf32, #tpu.memory_space<hbm>>) target(%dma_start3A_95 : memref<400x8xf32, #tpu.memory_space<vmem>>) offsets(%dma_start3A_98 : memref<400xi32, #tpu.memory_space<vmem>>) semaphore(%arg19 : memref<!tpu.dma_semaphore, #tpu.memory_space<semaphore_mem>>)
      %dma_start3A_102 = arith.constant 3600 : i32
      %dma_start3A_103 = arith.constant 0 : i32
      %dma_start3A_104 = tpu.memref_slice %arg15[%dma_start3A_102, %dma_start3A_103] : memref<6400x8xf32, #tpu.memory_space<vmem>> -> memref<400x8xf32, #tpu.memory_space<vmem>>
      %dma_start3A_105 = arith.constant 3600 : i32
      %dma_start3A_106 = tpu.memref_slice %arg14[%rem3A_21, %dma_start3A_105] : memref<2x6400xi32, #tpu.memory_space<vmem>> -> memref<1x400xi32, #tpu.memory_space<vmem>>
      %dma_start3A_107 = tpu.memref_squeeze %dma_start3A_106 : memref<1x400xi32, #tpu.memory_space<vmem>> -> memref<400xi32, #tpu.memory_space<vmem>>
      %dma_start3A_108 = arith.constant 0 : i32
      %dma_start3A_109 = arith.constant 0 : i32
      %dma_start3A_110 = tpu.memref_slice %arg9[%dma_start3A_108, %dma_start3A_109] : memref<1000000x8xf32, #tpu.memory_space<hbm>> -> memref<1000000x8xf32, #tpu.memory_space<hbm>>
      tpu.enqueue_indirect_dma source(%dma_start3A_110 : memref<1000000x8xf32, #tpu.memory_space<hbm>>) target(%dma_start3A_104 : memref<400x8xf32, #tpu.memory_space<vmem>>) offsets(%dma_start3A_107 : memref<400xi32, #tpu.memory_space<vmem>>) semaphore(%arg19 : memref<!tpu.dma_semaphore, #tpu.memory_space<semaphore_mem>>)
      %dma_start3A_111 = arith.constant 4000 : i32
      %dma_start3A_112 = arith.constant 0 : i32
      %dma_start3A_113 = tpu.memref_slice %arg15[%dma_start3A_111, %dma_start3A_112] : memref<6400x8xf32, #tpu.memory_space<vmem>> -> memref<400x8xf32, #tpu.memory_space<vmem>>
      %dma_start3A_114 = arith.constant 4000 : i32
      %dma_start3A_115 = tpu.memref_slice %arg14[%rem3A_21, %dma_start3A_114] : memref<2x6400xi32, #tpu.memory_space<vmem>> -> memref<1x400xi32, #tpu.memory_space<vmem>>
      %dma_start3A_116 = tpu.memref_squeeze %dma_start3A_115 : memref<1x400xi32, #tpu.memory_space<vmem>> -> memref<400xi32, #tpu.memory_space<vmem>>
      %dma_start3A_117 = arith.constant 0 : i32
      %dma_start3A_118 = arith.constant 0 : i32
      %dma_start3A_119 = tpu.memref_slice %arg9[%dma_start3A_117, %dma_start3A_118] : memref<1000000x8xf32, #tpu.memory_space<hbm>> -> memref<1000000x8xf32, #tpu.memory_space<hbm>>
      tpu.enqueue_indirect_dma source(%dma_start3A_119 : memref<1000000x8xf32, #tpu.memory_space<hbm>>) target(%dma_start3A_113 : memref<400x8xf32, #tpu.memory_space<vmem>>) offsets(%dma_start3A_116 : memref<400xi32, #tpu.memory_space<vmem>>) semaphore(%arg19 : memref<!tpu.dma_semaphore, #tpu.memory_space<semaphore_mem>>)
      %dma_start3A_120 = arith.constant 4400 : i32
      %dma_start3A_121 = arith.constant 0 : i32
      %dma_start3A_122 = tpu.memref_slice %arg15[%dma_start3A_120, %dma_start3A_121] : memref<6400x8xf32, #tpu.memory_space<vmem>> -> memref<400x8xf32, #tpu.memory_space<vmem>>
      %dma_start3A_123 = arith.constant 4400 : i32
      %dma_start3A_124 = tpu.memref_slice %arg14[%rem3A_21, %dma_start3A_123] : memref<2x6400xi32, #tpu.memory_space<vmem>> -> memref<1x400xi32, #tpu.memory_space<vmem>>
      %dma_start3A_125 = tpu.memref_squeeze %dma_start3A_124 : memref<1x400xi32, #tpu.memory_space<vmem>> -> memref<400xi32, #tpu.memory_space<vmem>>
      %dma_start3A_126 = arith.constant 0 : i32
      %dma_start3A_127 = arith.constant 0 : i32
      %dma_start3A_128 = tpu.memref_slice %arg9[%dma_start3A_126, %dma_start3A_127] : memref<1000000x8xf32, #tpu.memory_space<hbm>> -> memref<1000000x8xf32, #tpu.memory_space<hbm>>
      tpu.enqueue_indirect_dma source(%dma_start3A_128 : memref<1000000x8xf32, #tpu.memory_space<hbm>>) target(%dma_start3A_122 : memref<400x8xf32, #tpu.memory_space<vmem>>) offsets(%dma_start3A_125 : memref<400xi32, #tpu.memory_space<vmem>>) semaphore(%arg19 : memref<!tpu.dma_semaphore, #tpu.memory_space<semaphore_mem>>)
      %dma_start3A_129 = arith.constant 4800 : i32
      %dma_start3A_130 = arith.constant 0 : i32
      %dma_start3A_131 = tpu.memref_slice %arg15[%dma_start3A_129, %dma_start3A_130] : memref<6400x8xf32, #tpu.memory_space<vmem>> -> memref<400x8xf32, #tpu.memory_space<vmem>>
      %dma_start3A_132 = arith.constant 4800 : i32
      %dma_start3A_133 = tpu.memref_slice %arg14[%rem3A_21, %dma_start3A_132] : memref<2x6400xi32, #tpu.memory_space<vmem>> -> memref<1x400xi32, #tpu.memory_space<vmem>>
      %dma_start3A_134 = tpu.memref_squeeze %dma_start3A_133 : memref<1x400xi32, #tpu.memory_space<vmem>> -> memref<400xi32, #tpu.memory_space<vmem>>
      %dma_start3A_135 = arith.constant 0 : i32
      %dma_start3A_136 = arith.constant 0 : i32
      %dma_start3A_137 = tpu.memref_slice %arg9[%dma_start3A_135, %dma_start3A_136] : memref<1000000x8xf32, #tpu.memory_space<hbm>> -> memref<1000000x8xf32, #tpu.memory_space<hbm>>
      tpu.enqueue_indirect_dma source(%dma_start3A_137 : memref<1000000x8xf32, #tpu.memory_space<hbm>>) target(%dma_start3A_131 : memref<400x8xf32, #tpu.memory_space<vmem>>) offsets(%dma_start3A_134 : memref<400xi32, #tpu.memory_space<vmem>>) semaphore(%arg19 : memref<!tpu.dma_semaphore, #tpu.memory_space<semaphore_mem>>)
      %dma_start3A_138 = arith.constant 5200 : i32
      %dma_start3A_139 = arith.constant 0 : i32
      %dma_start3A_140 = tpu.memref_slice %arg15[%dma_start3A_138, %dma_start3A_139] : memref<6400x8xf32, #tpu.memory_space<vmem>> -> memref<400x8xf32, #tpu.memory_space<vmem>>
      %dma_start3A_141 = arith.constant 5200 : i32
      %dma_start3A_142 = tpu.memref_slice %arg14[%rem3A_21, %dma_start3A_141] : memref<2x6400xi32, #tpu.memory_space<vmem>> -> memref<1x400xi32, #tpu.memory_space<vmem>>
      %dma_start3A_143 = tpu.memref_squeeze %dma_start3A_142 : memref<1x400xi32, #tpu.memory_space<vmem>> -> memref<400xi32, #tpu.memory_space<vmem>>
      %dma_start3A_144 = arith.constant 0 : i32
      %dma_start3A_145 = arith.constant 0 : i32
      %dma_start3A_146 = tpu.memref_slice %arg9[%dma_start3A_144, %dma_start3A_145] : memref<1000000x8xf32, #tpu.memory_space<hbm>> -> memref<1000000x8xf32, #tpu.memory_space<hbm>>
      tpu.enqueue_indirect_dma source(%dma_start3A_146 : memref<1000000x8xf32, #tpu.memory_space<hbm>>) target(%dma_start3A_140 : memref<400x8xf32, #tpu.memory_space<vmem>>) offsets(%dma_start3A_143 : memref<400xi32, #tpu.memory_space<vmem>>) semaphore(%arg19 : memref<!tpu.dma_semaphore, #tpu.memory_space<semaphore_mem>>)
      %dma_start3A_147 = arith.constant 5600 : i32
      %dma_start3A_148 = arith.constant 0 : i32
      %dma_start3A_149 = tpu.memref_slice %arg15[%dma_start3A_147, %dma_start3A_148] : memref<6400x8xf32, #tpu.memory_space<vmem>> -> memref<400x8xf32, #tpu.memory_space<vmem>>
      %dma_start3A_150 = arith.constant 5600 : i32
      %dma_start3A_151 = tpu.memref_slice %arg14[%rem3A_21, %dma_start3A_150] : memref<2x6400xi32, #tpu.memory_space<vmem>> -> memref<1x400xi32, #tpu.memory_space<vmem>>
      %dma_start3A_152 = tpu.memref_squeeze %dma_start3A_151 : memref<1x400xi32, #tpu.memory_space<vmem>> -> memref<400xi32, #tpu.memory_space<vmem>>
      %dma_start3A_153 = arith.constant 0 : i32
      %dma_start3A_154 = arith.constant 0 : i32
      %dma_start3A_155 = tpu.memref_slice %arg9[%dma_start3A_153, %dma_start3A_154] : memref<1000000x8xf32, #tpu.memory_space<hbm>> -> memref<1000000x8xf32, #tpu.memory_space<hbm>>
      tpu.enqueue_indirect_dma source(%dma_start3A_155 : memref<1000000x8xf32, #tpu.memory_space<hbm>>) target(%dma_start3A_149 : memref<400x8xf32, #tpu.memory_space<vmem>>) offsets(%dma_start3A_152 : memref<400xi32, #tpu.memory_space<vmem>>) semaphore(%arg19 : memref<!tpu.dma_semaphore, #tpu.memory_space<semaphore_mem>>)
      %dma_start3A_156 = arith.constant 6000 : i32
      %dma_start3A_157 = arith.constant 0 : i32
      %dma_start3A_158 = tpu.memref_slice %arg15[%dma_start3A_156, %dma_start3A_157] : memref<6400x8xf32, #tpu.memory_space<vmem>> -> memref<400x8xf32, #tpu.memory_space<vmem>>
      %dma_start3A_159 = arith.constant 6000 : i32
      %dma_start3A_160 = tpu.memref_slice %arg14[%rem3A_21, %dma_start3A_159] : memref<2x6400xi32, #tpu.memory_space<vmem>> -> memref<1x400xi32, #tpu.memory_space<vmem>>
      %dma_start3A_161 = tpu.memref_squeeze %dma_start3A_160 : memref<1x400xi32, #tpu.memory_space<vmem>> -> memref<400xi32, #tpu.memory_space<vmem>>
      %dma_start3A_162 = arith.constant 0 : i32
      %dma_start3A_163 = arith.constant 0 : i32
      %dma_start3A_164 = tpu.memref_slice %arg9[%dma_start3A_162, %dma_start3A_163] : memref<1000000x8xf32, #tpu.memory_space<hbm>> -> memref<1000000x8xf32, #tpu.memory_space<hbm>>
      tpu.enqueue_indirect_dma source(%dma_start3A_164 : memref<1000000x8xf32, #tpu.memory_space<hbm>>) target(%dma_start3A_158 : memref<400x8xf32, #tpu.memory_space<vmem>>) offsets(%dma_start3A_161 : memref<400xi32, #tpu.memory_space<vmem>>) semaphore(%arg19 : memref<!tpu.dma_semaphore, #tpu.memory_space<semaphore_mem>>)
      %add3A_165 = arith.constant 1 : i32
      %add3A_166 = arith.addi %scan3A_16, %add3A_165 : i32
      %lt3A = arith.constant 16 : i32
      %lt3A_167 = arith.cmpi slt, %add3A_166, %lt3A : i32
      %convert_element_type3A = arith.extui %lt3A_167 : i1 to i32
      %cond3A = arith.constant 0 : i32
      %cond3A_168 = arith.cmpi ne, %convert_element_type3A, %cond3A : i32
      scf.if %cond3A_168 {
        %add3A_320 = arith.constant 6400 : i32
        %add3A_321 = arith.addi %add3A_20, %add3A_320 : i32
        %add3A_322 = arith.constant 1 : i32
        %add3A_323 = arith.addi %scan3A_16, %add3A_322 : i32
        %rem3A_324 = arith.constant 2 : i32
        %rem3A_325 = arith.remsi %add3A_323, %rem3A_324 : i32
        %dma_start3A_326 = arith.constant 0 : i32
        %dma_start3A_327 = tpu.memref_slice %arg14[%rem3A_325, %dma_start3A_326] : memref<2x6400xi32, #tpu.memory_space<vmem>> -> memref<1x6400xi32, #tpu.memory_space<vmem>>
        %dma_start3A_328 = tpu.memref_squeeze %dma_start3A_327 : memref<1x6400xi32, #tpu.memory_space<vmem>> -> memref<6400xi32, #tpu.memory_space<vmem>>
        %dma_start3A_329 = tpu.memref_slice %arg2[%add3A_321] : memref<3276800xi32, #tpu.memory_space<hbm>> -> memref<6400xi32, #tpu.memory_space<hbm>>
        %dma_start3A_330 = arith.constant 0 : i32
        %dma_start3A_331 = tpu.memref_slice %arg14[%rem3A_325, %dma_start3A_330] : memref<2x6400xi32, #tpu.memory_space<vmem>> -> memref<1x6400xi32, #tpu.memory_space<vmem>>
        %dma_start3A_332 = tpu.memref_squeeze %dma_start3A_331 : memref<1x6400xi32, #tpu.memory_space<vmem>> -> memref<6400xi32, #tpu.memory_space<vmem>>
        %dma_start3A_333 = tpu.memref_slice %arg2[%add3A_321] : memref<3276800xi32, #tpu.memory_space<hbm>> -> memref<6400xi32, #tpu.memory_space<hbm>>
        tpu.enqueue_dma source(%dma_start3A_333 : memref<6400xi32, #tpu.memory_space<hbm>>) target(%dma_start3A_332 : memref<6400xi32, #tpu.memory_space<vmem>>) target_semaphore(%arg20 : memref<!tpu.dma_semaphore, #tpu.memory_space<semaphore_mem>>)
        %dma_wait3A_334 = arith.constant 0 : i32
        %dma_wait3A_335 = tpu.memref_slice %arg14[%rem3A_325, %dma_wait3A_334] : memref<2x6400xi32, #tpu.memory_space<vmem>> -> memref<1x6400xi32, #tpu.memory_space<vmem>>
        %dma_wait3A_336 = tpu.memref_squeeze %dma_wait3A_335 : memref<1x6400xi32, #tpu.memory_space<vmem>> -> memref<6400xi32, #tpu.memory_space<vmem>>
        %dma_wait3A_337 = tpu.memref_slice %arg2[%add3A_321] : memref<3276800xi32, #tpu.memory_space<hbm>> -> memref<6400xi32, #tpu.memory_space<hbm>>
        %dma_wait3A_338 = arith.constant 0 : i32
        %dma_wait3A_339 = tpu.memref_slice %arg14[%rem3A_325, %dma_wait3A_338] : memref<2x6400xi32, #tpu.memory_space<vmem>> -> memref<1x6400xi32, #tpu.memory_space<vmem>>
        %dma_wait3A_340 = tpu.memref_squeeze %dma_wait3A_339 : memref<1x6400xi32, #tpu.memory_space<vmem>> -> memref<6400xi32, #tpu.memory_space<vmem>>
        %dma_wait3A_341 = tpu.memref_slice %arg2[%add3A_321] : memref<3276800xi32, #tpu.memory_space<hbm>> -> memref<6400xi32, #tpu.memory_space<hbm>>
        tpu.wait_dma2 semaphore(%arg20 : memref<!tpu.dma_semaphore, #tpu.memory_space<semaphore_mem>>) src(%dma_wait3A_341 : memref<6400xi32, #tpu.memory_space<hbm>>) dst(%dma_wait3A_340 : memref<6400xi32, #tpu.memory_space<vmem>>)
      } else {
      }
      %dma_wait3A = arith.constant 0 : i32
      %dma_wait3A_169 = arith.constant 0 : i32
      %dma_wait3A_170 = tpu.memref_slice %arg15[%dma_wait3A, %dma_wait3A_169] : memref<6400x8xf32, #tpu.memory_space<vmem>> -> memref<400x8xf32, #tpu.memory_space<vmem>>
      %dma_wait3A_171 = arith.constant 0 : i32
      %dma_wait3A_172 = tpu.memref_slice %arg14[%rem3A_21, %dma_wait3A_171] : memref<2x6400xi32, #tpu.memory_space<vmem>> -> memref<1x400xi32, #tpu.memory_space<vmem>>
      %dma_wait3A_173 = tpu.memref_squeeze %dma_wait3A_172 : memref<1x400xi32, #tpu.memory_space<vmem>> -> memref<400xi32, #tpu.memory_space<vmem>>
      %dma_wait3A_174 = arith.constant 0 : i32
      %dma_wait3A_175 = arith.constant 0 : i32
      %dma_wait3A_176 = tpu.memref_slice %arg9[%dma_wait3A_174, %dma_wait3A_175] : memref<1000000x8xf32, #tpu.memory_space<hbm>> -> memref<1000000x8xf32, #tpu.memory_space<hbm>>
      tpu.wait_indirect_dma semaphore(%arg19 : memref<!tpu.dma_semaphore, #tpu.memory_space<semaphore_mem>>) src(%dma_wait3A_176 : memref<1000000x8xf32, #tpu.memory_space<hbm>>) dst(%dma_wait3A_170 : memref<400x8xf32, #tpu.memory_space<vmem>>)
      %dma_wait3A_177 = arith.constant 400 : i32
      %dma_wait3A_178 = arith.constant 0 : i32
      %dma_wait3A_179 = tpu.memref_slice %arg15[%dma_wait3A_177, %dma_wait3A_178] : memref<6400x8xf32, #tpu.memory_space<vmem>> -> memref<400x8xf32, #tpu.memory_space<vmem>>
      %dma_wait3A_180 = arith.constant 400 : i32
      %dma_wait3A_181 = tpu.memref_slice %arg14[%rem3A_21, %dma_wait3A_180] : memref<2x6400xi32, #tpu.memory_space<vmem>> -> memref<1x400xi32, #tpu.memory_space<vmem>>
      %dma_wait3A_182 = tpu.memref_squeeze %dma_wait3A_181 : memref<1x400xi32, #tpu.memory_space<vmem>> -> memref<400xi32, #tpu.memory_space<vmem>>
      %dma_wait3A_183 = arith.constant 0 : i32
      %dma_wait3A_184 = arith.constant 0 : i32
      %dma_wait3A_185 = tpu.memref_slice %arg9[%dma_wait3A_183, %dma_wait3A_184] : memref<1000000x8xf32, #tpu.memory_space<hbm>> -> memref<1000000x8xf32, #tpu.memory_space<hbm>>
      tpu.wait_indirect_dma semaphore(%arg19 : memref<!tpu.dma_semaphore, #tpu.memory_space<semaphore_mem>>) src(%dma_wait3A_185 : memref<1000000x8xf32, #tpu.memory_space<hbm>>) dst(%dma_wait3A_179 : memref<400x8xf32, #tpu.memory_space<vmem>>)
      %dma_wait3A_186 = arith.constant 800 : i32
      %dma_wait3A_187 = arith.constant 0 : i32
      %dma_wait3A_188 = tpu.memref_slice %arg15[%dma_wait3A_186, %dma_wait3A_187] : memref<6400x8xf32, #tpu.memory_space<vmem>> -> memref<400x8xf32, #tpu.memory_space<vmem>>
      %dma_wait3A_189 = arith.constant 800 : i32
      %dma_wait3A_190 = tpu.memref_slice %arg14[%rem3A_21, %dma_wait3A_189] : memref<2x6400xi32, #tpu.memory_space<vmem>> -> memref<1x400xi32, #tpu.memory_space<vmem>>
      %dma_wait3A_191 = tpu.memref_squeeze %dma_wait3A_190 : memref<1x400xi32, #tpu.memory_space<vmem>> -> memref<400xi32, #tpu.memory_space<vmem>>
      %dma_wait3A_192 = arith.constant 0 : i32
      %dma_wait3A_193 = arith.constant 0 : i32
      %dma_wait3A_194 = tpu.memref_slice %arg9[%dma_wait3A_192, %dma_wait3A_193] : memref<1000000x8xf32, #tpu.memory_space<hbm>> -> memref<1000000x8xf32, #tpu.memory_space<hbm>>
      tpu.wait_indirect_dma semaphore(%arg19 : memref<!tpu.dma_semaphore, #tpu.memory_space<semaphore_mem>>) src(%dma_wait3A_194 : memref<1000000x8xf32, #tpu.memory_space<hbm>>) dst(%dma_wait3A_188 : memref<400x8xf32, #tpu.memory_space<vmem>>)
      %dma_wait3A_195 = arith.constant 1200 : i32
      %dma_wait3A_196 = arith.constant 0 : i32
      %dma_wait3A_197 = tpu.memref_slice %arg15[%dma_wait3A_195, %dma_wait3A_196] : memref<6400x8xf32, #tpu.memory_space<vmem>> -> memref<400x8xf32, #tpu.memory_space<vmem>>
      %dma_wait3A_198 = arith.constant 1200 : i32
      %dma_wait3A_199 = tpu.memref_slice %arg14[%rem3A_21, %dma_wait3A_198] : memref<2x6400xi32, #tpu.memory_space<vmem>> -> memref<1x400xi32, #tpu.memory_space<vmem>>
      %dma_wait3A_200 = tpu.memref_squeeze %dma_wait3A_199 : memref<1x400xi32, #tpu.memory_space<vmem>> -> memref<400xi32, #tpu.memory_space<vmem>>
      %dma_wait3A_201 = arith.constant 0 : i32
      %dma_wait3A_202 = arith.constant 0 : i32
      %dma_wait3A_203 = tpu.memref_slice %arg9[%dma_wait3A_201, %dma_wait3A_202] : memref<1000000x8xf32, #tpu.memory_space<hbm>> -> memref<1000000x8xf32, #tpu.memory_space<hbm>>
      tpu.wait_indirect_dma semaphore(%arg19 : memref<!tpu.dma_semaphore, #tpu.memory_space<semaphore_mem>>) src(%dma_wait3A_203 : memref<1000000x8xf32, #tpu.memory_space<hbm>>) dst(%dma_wait3A_197 : memref<400x8xf32, #tpu.memory_space<vmem>>)
      %dma_wait3A_204 = arith.constant 1600 : i32
      %dma_wait3A_205 = arith.constant 0 : i32
      %dma_wait3A_206 = tpu.memref_slice %arg15[%dma_wait3A_204, %dma_wait3A_205] : memref<6400x8xf32, #tpu.memory_space<vmem>> -> memref<400x8xf32, #tpu.memory_space<vmem>>
      %dma_wait3A_207 = arith.constant 1600 : i32
      %dma_wait3A_208 = tpu.memref_slice %arg14[%rem3A_21, %dma_wait3A_207] : memref<2x6400xi32, #tpu.memory_space<vmem>> -> memref<1x400xi32, #tpu.memory_space<vmem>>
      %dma_wait3A_209 = tpu.memref_squeeze %dma_wait3A_208 : memref<1x400xi32, #tpu.memory_space<vmem>> -> memref<400xi32, #tpu.memory_space<vmem>>
      %dma_wait3A_210 = arith.constant 0 : i32
      %dma_wait3A_211 = arith.constant 0 : i32
      %dma_wait3A_212 = tpu.memref_slice %arg9[%dma_wait3A_210, %dma_wait3A_211] : memref<1000000x8xf32, #tpu.memory_space<hbm>> -> memref<1000000x8xf32, #tpu.memory_space<hbm>>
      tpu.wait_indirect_dma semaphore(%arg19 : memref<!tpu.dma_semaphore, #tpu.memory_space<semaphore_mem>>) src(%dma_wait3A_212 : memref<1000000x8xf32, #tpu.memory_space<hbm>>) dst(%dma_wait3A_206 : memref<400x8xf32, #tpu.memory_space<vmem>>)
      %dma_wait3A_213 = arith.constant 2000 : i32
      %dma_wait3A_214 = arith.constant 0 : i32
      %dma_wait3A_215 = tpu.memref_slice %arg15[%dma_wait3A_213, %dma_wait3A_214] : memref<6400x8xf32, #tpu.memory_space<vmem>> -> memref<400x8xf32, #tpu.memory_space<vmem>>
      %dma_wait3A_216 = arith.constant 2000 : i32
      %dma_wait3A_217 = tpu.memref_slice %arg14[%rem3A_21, %dma_wait3A_216] : memref<2x6400xi32, #tpu.memory_space<vmem>> -> memref<1x400xi32, #tpu.memory_space<vmem>>
      %dma_wait3A_218 = tpu.memref_squeeze %dma_wait3A_217 : memref<1x400xi32, #tpu.memory_space<vmem>> -> memref<400xi32, #tpu.memory_space<vmem>>
      %dma_wait3A_219 = arith.constant 0 : i32
      %dma_wait3A_220 = arith.constant 0 : i32
      %dma_wait3A_221 = tpu.memref_slice %arg9[%dma_wait3A_219, %dma_wait3A_220] : memref<1000000x8xf32, #tpu.memory_space<hbm>> -> memref<1000000x8xf32, #tpu.memory_space<hbm>>
      tpu.wait_indirect_dma semaphore(%arg19 : memref<!tpu.dma_semaphore, #tpu.memory_space<semaphore_mem>>) src(%dma_wait3A_221 : memref<1000000x8xf32, #tpu.memory_space<hbm>>) dst(%dma_wait3A_215 : memref<400x8xf32, #tpu.memory_space<vmem>>)
      %dma_wait3A_222 = arith.constant 2400 : i32
      %dma_wait3A_223 = arith.constant 0 : i32
      %dma_wait3A_224 = tpu.memref_slice %arg15[%dma_wait3A_222, %dma_wait3A_223] : memref<6400x8xf32, #tpu.memory_space<vmem>> -> memref<400x8xf32, #tpu.memory_space<vmem>>
      %dma_wait3A_225 = arith.constant 2400 : i32
      %dma_wait3A_226 = tpu.memref_slice %arg14[%rem3A_21, %dma_wait3A_225] : memref<2x6400xi32, #tpu.memory_space<vmem>> -> memref<1x400xi32, #tpu.memory_space<vmem>>
      %dma_wait3A_227 = tpu.memref_squeeze %dma_wait3A_226 : memref<1x400xi32, #tpu.memory_space<vmem>> -> memref<400xi32, #tpu.memory_space<vmem>>
      %dma_wait3A_228 = arith.constant 0 : i32
      %dma_wait3A_229 = arith.constant 0 : i32
      %dma_wait3A_230 = tpu.memref_slice %arg9[%dma_wait3A_228, %dma_wait3A_229] : memref<1000000x8xf32, #tpu.memory_space<hbm>> -> memref<1000000x8xf32, #tpu.memory_space<hbm>>
      tpu.wait_indirect_dma semaphore(%arg19 : memref<!tpu.dma_semaphore, #tpu.memory_space<semaphore_mem>>) src(%dma_wait3A_230 : memref<1000000x8xf32, #tpu.memory_space<hbm>>) dst(%dma_wait3A_224 : memref<400x8xf32, #tpu.memory_space<vmem>>)
      %dma_wait3A_231 = arith.constant 2800 : i32
      %dma_wait3A_232 = arith.constant 0 : i32
      %dma_wait3A_233 = tpu.memref_slice %arg15[%dma_wait3A_231, %dma_wait3A_232] : memref<6400x8xf32, #tpu.memory_space<vmem>> -> memref<400x8xf32, #tpu.memory_space<vmem>>
      %dma_wait3A_234 = arith.constant 2800 : i32
      %dma_wait3A_235 = tpu.memref_slice %arg14[%rem3A_21, %dma_wait3A_234] : memref<2x6400xi32, #tpu.memory_space<vmem>> -> memref<1x400xi32, #tpu.memory_space<vmem>>
      %dma_wait3A_236 = tpu.memref_squeeze %dma_wait3A_235 : memref<1x400xi32, #tpu.memory_space<vmem>> -> memref<400xi32, #tpu.memory_space<vmem>>
      %dma_wait3A_237 = arith.constant 0 : i32
      %dma_wait3A_238 = arith.constant 0 : i32
      %dma_wait3A_239 = tpu.memref_slice %arg9[%dma_wait3A_237, %dma_wait3A_238] : memref<1000000x8xf32, #tpu.memory_space<hbm>> -> memref<1000000x8xf32, #tpu.memory_space<hbm>>
      tpu.wait_indirect_dma semaphore(%arg19 : memref<!tpu.dma_semaphore, #tpu.memory_space<semaphore_mem>>) src(%dma_wait3A_239 : memref<1000000x8xf32, #tpu.memory_space<hbm>>) dst(%dma_wait3A_233 : memref<400x8xf32, #tpu.memory_space<vmem>>)
      %dma_wait3A_240 = arith.constant 3200 : i32
      %dma_wait3A_241 = arith.constant 0 : i32
      %dma_wait3A_242 = tpu.memref_slice %arg15[%dma_wait3A_240, %dma_wait3A_241] : memref<6400x8xf32, #tpu.memory_space<vmem>> -> memref<400x8xf32, #tpu.memory_space<vmem>>
      %dma_wait3A_243 = arith.constant 3200 : i32
      %dma_wait3A_244 = tpu.memref_slice %arg14[%rem3A_21, %dma_wait3A_243] : memref<2x6400xi32, #tpu.memory_space<vmem>> -> memref<1x400xi32, #tpu.memory_space<vmem>>
      %dma_wait3A_245 = tpu.memref_squeeze %dma_wait3A_244 : memref<1x400xi32, #tpu.memory_space<vmem>> -> memref<400xi32, #tpu.memory_space<vmem>>
      %dma_wait3A_246 = arith.constant 0 : i32
      %dma_wait3A_247 = arith.constant 0 : i32
      %dma_wait3A_248 = tpu.memref_slice %arg9[%dma_wait3A_246, %dma_wait3A_247] : memref<1000000x8xf32, #tpu.memory_space<hbm>> -> memref<1000000x8xf32, #tpu.memory_space<hbm>>
      tpu.wait_indirect_dma semaphore(%arg19 : memref<!tpu.dma_semaphore, #tpu.memory_space<semaphore_mem>>) src(%dma_wait3A_248 : memref<1000000x8xf32, #tpu.memory_space<hbm>>) dst(%dma_wait3A_242 : memref<400x8xf32, #tpu.memory_space<vmem>>)
      %dma_wait3A_249 = arith.constant 3600 : i32
      %dma_wait3A_250 = arith.constant 0 : i32
      %dma_wait3A_251 = tpu.memref_slice %arg15[%dma_wait3A_249, %dma_wait3A_250] : memref<6400x8xf32, #tpu.memory_space<vmem>> -> memref<400x8xf32, #tpu.memory_space<vmem>>
      %dma_wait3A_252 = arith.constant 3600 : i32
      %dma_wait3A_253 = tpu.memref_slice %arg14[%rem3A_21, %dma_wait3A_252] : memref<2x6400xi32, #tpu.memory_space<vmem>> -> memref<1x400xi32, #tpu.memory_space<vmem>>
      %dma_wait3A_254 = tpu.memref_squeeze %dma_wait3A_253 : memref<1x400xi32, #tpu.memory_space<vmem>> -> memref<400xi32, #tpu.memory_space<vmem>>
      %dma_wait3A_255 = arith.constant 0 : i32
      %dma_wait3A_256 = arith.constant 0 : i32
      %dma_wait3A_257 = tpu.memref_slice %arg9[%dma_wait3A_255, %dma_wait3A_256] : memref<1000000x8xf32, #tpu.memory_space<hbm>> -> memref<1000000x8xf32, #tpu.memory_space<hbm>>
      tpu.wait_indirect_dma semaphore(%arg19 : memref<!tpu.dma_semaphore, #tpu.memory_space<semaphore_mem>>) src(%dma_wait3A_257 : memref<1000000x8xf32, #tpu.memory_space<hbm>>) dst(%dma_wait3A_251 : memref<400x8xf32, #tpu.memory_space<vmem>>)
      %dma_wait3A_258 = arith.constant 4000 : i32
      %dma_wait3A_259 = arith.constant 0 : i32
      %dma_wait3A_260 = tpu.memref_slice %arg15[%dma_wait3A_258, %dma_wait3A_259] : memref<6400x8xf32, #tpu.memory_space<vmem>> -> memref<400x8xf32, #tpu.memory_space<vmem>>
      %dma_wait3A_261 = arith.constant 4000 : i32
      %dma_wait3A_262 = tpu.memref_slice %arg14[%rem3A_21, %dma_wait3A_261] : memref<2x6400xi32, #tpu.memory_space<vmem>> -> memref<1x400xi32, #tpu.memory_space<vmem>>
      %dma_wait3A_263 = tpu.memref_squeeze %dma_wait3A_262 : memref<1x400xi32, #tpu.memory_space<vmem>> -> memref<400xi32, #tpu.memory_space<vmem>>
      %dma_wait3A_264 = arith.constant 0 : i32
      %dma_wait3A_265 = arith.constant 0 : i32
      %dma_wait3A_266 = tpu.memref_slice %arg9[%dma_wait3A_264, %dma_wait3A_265] : memref<1000000x8xf32, #tpu.memory_space<hbm>> -> memref<1000000x8xf32, #tpu.memory_space<hbm>>
      tpu.wait_indirect_dma semaphore(%arg19 : memref<!tpu.dma_semaphore, #tpu.memory_space<semaphore_mem>>) src(%dma_wait3A_266 : memref<1000000x8xf32, #tpu.memory_space<hbm>>) dst(%dma_wait3A_260 : memref<400x8xf32, #tpu.memory_space<vmem>>)
      %dma_wait3A_267 = arith.constant 4400 : i32
      %dma_wait3A_268 = arith.constant 0 : i32
      %dma_wait3A_269 = tpu.memref_slice %arg15[%dma_wait3A_267, %dma_wait3A_268] : memref<6400x8xf32, #tpu.memory_space<vmem>> -> memref<400x8xf32, #tpu.memory_space<vmem>>
      %dma_wait3A_270 = arith.constant 4400 : i32
      %dma_wait3A_271 = tpu.memref_slice %arg14[%rem3A_21, %dma_wait3A_270] : memref<2x6400xi32, #tpu.memory_space<vmem>> -> memref<1x400xi32, #tpu.memory_space<vmem>>
      %dma_wait3A_272 = tpu.memref_squeeze %dma_wait3A_271 : memref<1x400xi32, #tpu.memory_space<vmem>> -> memref<400xi32, #tpu.memory_space<vmem>>
      %dma_wait3A_273 = arith.constant 0 : i32
      %dma_wait3A_274 = arith.constant 0 : i32
      %dma_wait3A_275 = tpu.memref_slice %arg9[%dma_wait3A_273, %dma_wait3A_274] : memref<1000000x8xf32, #tpu.memory_space<hbm>> -> memref<1000000x8xf32, #tpu.memory_space<hbm>>
      tpu.wait_indirect_dma semaphore(%arg19 : memref<!tpu.dma_semaphore, #tpu.memory_space<semaphore_mem>>) src(%dma_wait3A_275 : memref<1000000x8xf32, #tpu.memory_space<hbm>>) dst(%dma_wait3A_269 : memref<400x8xf32, #tpu.memory_space<vmem>>)
      %dma_wait3A_276 = arith.constant 4800 : i32
      %dma_wait3A_277 = arith.constant 0 : i32
      %dma_wait3A_278 = tpu.memref_slice %arg15[%dma_wait3A_276, %dma_wait3A_277] : memref<6400x8xf32, #tpu.memory_space<vmem>> -> memref<400x8xf32, #tpu.memory_space<vmem>>
      %dma_wait3A_279 = arith.constant 4800 : i32
      %dma_wait3A_280 = tpu.memref_slice %arg14[%rem3A_21, %dma_wait3A_279] : memref<2x6400xi32, #tpu.memory_space<vmem>> -> memref<1x400xi32, #tpu.memory_space<vmem>>
      %dma_wait3A_281 = tpu.memref_squeeze %dma_wait3A_280 : memref<1x400xi32, #tpu.memory_space<vmem>> -> memref<400xi32, #tpu.memory_space<vmem>>
      %dma_wait3A_282 = arith.constant 0 : i32
      %dma_wait3A_283 = arith.constant 0 : i32
      %dma_wait3A_284 = tpu.memref_slice %arg9[%dma_wait3A_282, %dma_wait3A_283] : memref<1000000x8xf32, #tpu.memory_space<hbm>> -> memref<1000000x8xf32, #tpu.memory_space<hbm>>
      tpu.wait_indirect_dma semaphore(%arg19 : memref<!tpu.dma_semaphore, #tpu.memory_space<semaphore_mem>>) src(%dma_wait3A_284 : memref<1000000x8xf32, #tpu.memory_space<hbm>>) dst(%dma_wait3A_278 : memref<400x8xf32, #tpu.memory_space<vmem>>)
      %dma_wait3A_285 = arith.constant 5200 : i32
      %dma_wait3A_286 = arith.constant 0 : i32
      %dma_wait3A_287 = tpu.memref_slice %arg15[%dma_wait3A_285, %dma_wait3A_286] : memref<6400x8xf32, #tpu.memory_space<vmem>> -> memref<400x8xf32, #tpu.memory_space<vmem>>
      %dma_wait3A_288 = arith.constant 5200 : i32
      %dma_wait3A_289 = tpu.memref_slice %arg14[%rem3A_21, %dma_wait3A_288] : memref<2x6400xi32, #tpu.memory_space<vmem>> -> memref<1x400xi32, #tpu.memory_space<vmem>>
      %dma_wait3A_290 = tpu.memref_squeeze %dma_wait3A_289 : memref<1x400xi32, #tpu.memory_space<vmem>> -> memref<400xi32, #tpu.memory_space<vmem>>
      %dma_wait3A_291 = arith.constant 0 : i32
      %dma_wait3A_292 = arith.constant 0 : i32
      %dma_wait3A_293 = tpu.memref_slice %arg9[%dma_wait3A_291, %dma_wait3A_292] : memref<1000000x8xf32, #tpu.memory_space<hbm>> -> memref<1000000x8xf32, #tpu.memory_space<hbm>>
      tpu.wait_indirect_dma semaphore(%arg19 : memref<!tpu.dma_semaphore, #tpu.memory_space<semaphore_mem>>) src(%dma_wait3A_293 : memref<1000000x8xf32, #tpu.memory_space<hbm>>) dst(%dma_wait3A_287 : memref<400x8xf32, #tpu.memory_space<vmem>>)
      %dma_wait3A_294 = arith.constant 5600 : i32
      %dma_wait3A_295 = arith.constant 0 : i32
      %dma_wait3A_296 = tpu.memref_slice %arg15[%dma_wait3A_294, %dma_wait3A_295] : memref<6400x8xf32, #tpu.memory_space<vmem>> -> memref<400x8xf32, #tpu.memory_space<vmem>>
      %dma_wait3A_297 = arith.constant 5600 : i32
      %dma_wait3A_298 = tpu.memref_slice %arg14[%rem3A_21, %dma_wait3A_297] : memref<2x6400xi32, #tpu.memory_space<vmem>> -> memref<1x400xi32, #tpu.memory_space<vmem>>
      %dma_wait3A_299 = tpu.memref_squeeze %dma_wait3A_298 : memref<1x400xi32, #tpu.memory_space<vmem>> -> memref<400xi32, #tpu.memory_space<vmem>>
      %dma_wait3A_300 = arith.constant 0 : i32
      %dma_wait3A_301 = arith.constant 0 : i32
      %dma_wait3A_302 = tpu.memref_slice %arg9[%dma_wait3A_300, %dma_wait3A_301] : memref<1000000x8xf32, #tpu.memory_space<hbm>> -> memref<1000000x8xf32, #tpu.memory_space<hbm>>
      tpu.wait_indirect_dma semaphore(%arg19 : memref<!tpu.dma_semaphore, #tpu.memory_space<semaphore_mem>>) src(%dma_wait3A_302 : memref<1000000x8xf32, #tpu.memory_space<hbm>>) dst(%dma_wait3A_296 : memref<400x8xf32, #tpu.memory_space<vmem>>)
      %dma_wait3A_303 = arith.constant 6000 : i32
      %dma_wait3A_304 = arith.constant 0 : i32
      %dma_wait3A_305 = tpu.memref_slice %arg15[%dma_wait3A_303, %dma_wait3A_304] : memref<6400x8xf32, #tpu.memory_space<vmem>> -> memref<400x8xf32, #tpu.memory_space<vmem>>
      %dma_wait3A_306 = arith.constant 6000 : i32
      %dma_wait3A_307 = tpu.memref_slice %arg14[%rem3A_21, %dma_wait3A_306] : memref<2x6400xi32, #tpu.memory_space<vmem>> -> memref<1x400xi32, #tpu.memory_space<vmem>>
      %dma_wait3A_308 = tpu.memref_squeeze %dma_wait3A_307 : memref<1x400xi32, #tpu.memory_space<vmem>> -> memref<400xi32, #tpu.memory_space<vmem>>
      %dma_wait3A_309 = arith.constant 0 : i32
      %dma_wait3A_310 = arith.constant 0 : i32
      %dma_wait3A_311 = tpu.memref_slice %arg9[%dma_wait3A_309, %dma_wait3A_310] : memref<1000000x8xf32, #tpu.memory_space<hbm>> -> memref<1000000x8xf32, #tpu.memory_space<hbm>>
      tpu.wait_indirect_dma semaphore(%arg19 : memref<!tpu.dma_semaphore, #tpu.memory_space<semaphore_mem>>) src(%dma_wait3A_311 : memref<1000000x8xf32, #tpu.memory_space<hbm>>) dst(%dma_wait3A_305 : memref<400x8xf32, #tpu.memory_space<vmem>>)
      %scan3A_312 = arith.constant 0 : i32
      %scan3A_313 = arith.constant 0 : i32
      %scan3A_314 = arith.constant 400 : i32
      %scan3A_315 = arith.addi %scan3A_313, %scan3A_314 : i32
      %scan3A_316 = arith.constant 1 : i32
      %scan3A_317 = scf.for %scan3A_320 = %scan3A_313 to %scan3A_315 step %scan3A_316 iter_args(%scan3A_321 = %scan3A_312) -> (i32)  : i32 {
        %mul3A_322 = arith.constant 16 : i32
        %mul3A_323 = arith.muli %scan3A_320, %mul3A_322 : i32
        %add3A_324 = vector.broadcast %mul3A_323 : i32 to vector<16xi32>
        %add3A_325 = arith.addi %add3A_324, %iota3A : vector<16xi32>
        %broadcast_in_dim3A = arith.constant 0 : i32
        %broadcast_in_dim3A_326 = vector.broadcast %broadcast_in_dim3A : i32 to vector<16xi32>
        %gather3A = tpu.vector_load_idx %arg15[%add3A_325, %broadcast_in_dim3A_326] : memref<6400x8xf32, #tpu.memory_space<vmem>>[vector<16xi32>, vector<16xi32>], vector<16xf32>,
        %mul3A_327 = arith.constant 16 : i32
        %mul3A_328 = arith.muli %scan3A_320, %mul3A_327 : i32
        %swap3A = arith.index_cast %mul3A_328 : i32 to index
        %swap3A_329 = tpu.vector_load %arg16[%swap3A] {strides = array<i32>} : memref<6400xf32, #tpu.memory_space<vmem>>, vector<16xf32>,
        tpu.vector_store %arg16[%swap3A], %gather3A {strides = array<i32>} : memref<6400xf32, #tpu.memory_space<vmem>>, vector<16xf32>,
        %broadcast_in_dim3A_330 = arith.constant 1 : i32
        %broadcast_in_dim3A_331 = vector.broadcast %broadcast_in_dim3A_330 : i32 to vector<16xi32>
        %gather3A_332 = tpu.vector_load_idx %arg15[%add3A_325, %broadcast_in_dim3A_331] : memref<6400x8xf32, #tpu.memory_space<vmem>>[vector<16xi32>, vector<16xi32>], vector<16xf32>,
        %mul3A_333 = arith.constant 16 : i32
        %mul3A_334 = arith.muli %scan3A_320, %mul3A_333 : i32
        %swap3A_335 = arith.index_cast %mul3A_334 : i32 to index
        %swap3A_336 = tpu.vector_load %arg17[%swap3A_335] {strides = array<i32>} : memref<6400xf32, #tpu.memory_space<vmem>>, vector<16xf32>,
        tpu.vector_store %arg17[%swap3A_335], %gather3A_332 {strides = array<i32>} : memref<6400xf32, #tpu.memory_space<vmem>>, vector<16xf32>,
        %broadcast_in_dim3A_337 = arith.constant 2 : i32
        %broadcast_in_dim3A_338 = vector.broadcast %broadcast_in_dim3A_337 : i32 to vector<16xi32>
        %gather3A_339 = tpu.vector_load_idx %arg15[%add3A_325, %broadcast_in_dim3A_338] : memref<6400x8xf32, #tpu.memory_space<vmem>>[vector<16xi32>, vector<16xi32>], vector<16xf32>,
        %mul3A_340 = arith.constant 16 : i32
        %mul3A_341 = arith.muli %scan3A_320, %mul3A_340 : i32
        %swap3A_342 = arith.index_cast %mul3A_341 : i32 to index
        %swap3A_343 = tpu.vector_load %arg18[%swap3A_342] {strides = array<i32>} : memref<6400xf32, #tpu.memory_space<vmem>>, vector<16xf32>,
        tpu.vector_store %arg18[%swap3A_342], %gather3A_339 {strides = array<i32>} : memref<6400xf32, #tpu.memory_space<vmem>>, vector<16xf32>,
        %scan3A_344 = arith.constant 0 : i32
        scf.yield %scan3A_344 : i32
      }
      %scan3A_318 = arith.constant 400 : i32
      "tpu.region"() ({
        %run_scoped3A_320 = tpu.sem_alloc : memref<!tpu.dma_semaphore, #tpu.memory_space<semaphore_mem>>
        %dma_start3A_321 = tpu.memref_slice %arg6[%add3A_20] : memref<3276800xf32, #tpu.memory_space<hbm>> -> memref<6400xf32, #tpu.memory_space<hbm>>
        %dma_start3A_322 = tpu.memref_slice %arg6[%add3A_20] : memref<3276800xf32, #tpu.memory_space<hbm>> -> memref<6400xf32, #tpu.memory_space<hbm>>
        tpu.enqueue_dma source(%arg16 : memref<6400xf32, #tpu.memory_space<vmem>>) target(%dma_start3A_322 : memref<6400xf32, #tpu.memory_space<hbm>>) target_semaphore(%run_scoped3A_320 : memref<!tpu.dma_semaphore, #tpu.memory_space<semaphore_mem>>)
        %dma_wait3A_323 = tpu.memref_slice %arg6[%add3A_20] : memref<3276800xf32, #tpu.memory_space<hbm>> -> memref<6400xf32, #tpu.memory_space<hbm>>
        %dma_wait3A_324 = tpu.memref_slice %arg6[%add3A_20] : memref<3276800xf32, #tpu.memory_space<hbm>> -> memref<6400xf32, #tpu.memory_space<hbm>>
        tpu.wait_dma2 semaphore(%run_scoped3A_320 : memref<!tpu.dma_semaphore, #tpu.memory_space<semaphore_mem>>) src(%arg16 : memref<6400xf32, #tpu.memory_space<vmem>>) dst(%dma_wait3A_324 : memref<6400xf32, #tpu.memory_space<hbm>>)
        tpu.yield
      }) : () -> ()
      "tpu.region"() ({
        %run_scoped3A_320 = tpu.sem_alloc : memref<!tpu.dma_semaphore, #tpu.memory_space<semaphore_mem>>
        %dma_start3A_321 = tpu.memref_slice %arg7[%add3A_20] : memref<3276800xf32, #tpu.memory_space<hbm>> -> memref<6400xf32, #tpu.memory_space<hbm>>
        %dma_start3A_322 = tpu.memref_slice %arg7[%add3A_20] : memref<3276800xf32, #tpu.memory_space<hbm>> -> memref<6400xf32, #tpu.memory_space<hbm>>
        tpu.enqueue_dma source(%arg17 : memref<6400xf32, #tpu.memory_space<vmem>>) target(%dma_start3A_322 : memref<6400xf32, #tpu.memory_space<hbm>>) target_semaphore(%run_scoped3A_320 : memref<!tpu.dma_semaphore, #tpu.memory_space<semaphore_mem>>)
        %dma_wait3A_323 = tpu.memref_slice %arg7[%add3A_20] : memref<3276800xf32, #tpu.memory_space<hbm>> -> memref<6400xf32, #tpu.memory_space<hbm>>
        %dma_wait3A_324 = tpu.memref_slice %arg7[%add3A_20] : memref<3276800xf32, #tpu.memory_space<hbm>> -> memref<6400xf32, #tpu.memory_space<hbm>>
        tpu.wait_dma2 semaphore(%run_scoped3A_320 : memref<!tpu.dma_semaphore, #tpu.memory_space<semaphore_mem>>) src(%arg17 : memref<6400xf32, #tpu.memory_space<vmem>>) dst(%dma_wait3A_324 : memref<6400xf32, #tpu.memory_space<hbm>>)
        tpu.yield
      }) : () -> ()
      "tpu.region"() ({
        %run_scoped3A_320 = tpu.sem_alloc : memref<!tpu.dma_semaphore, #tpu.memory_space<semaphore_mem>>
        %dma_start3A_321 = tpu.memref_slice %arg8[%add3A_20] : memref<3276800xf32, #tpu.memory_space<hbm>> -> memref<6400xf32, #tpu.memory_space<hbm>>
        %dma_start3A_322 = tpu.memref_slice %arg8[%add3A_20] : memref<3276800xf32, #tpu.memory_space<hbm>> -> memref<6400xf32, #tpu.memory_space<hbm>>
        tpu.enqueue_dma source(%arg18 : memref<6400xf32, #tpu.memory_space<vmem>>) target(%dma_start3A_322 : memref<6400xf32, #tpu.memory_space<hbm>>) target_semaphore(%run_scoped3A_320 : memref<!tpu.dma_semaphore, #tpu.memory_space<semaphore_mem>>)
        %dma_wait3A_323 = tpu.memref_slice %arg8[%add3A_20] : memref<3276800xf32, #tpu.memory_space<hbm>> -> memref<6400xf32, #tpu.memory_space<hbm>>
        %dma_wait3A_324 = tpu.memref_slice %arg8[%add3A_20] : memref<3276800xf32, #tpu.memory_space<hbm>> -> memref<6400xf32, #tpu.memory_space<hbm>>
        tpu.wait_dma2 semaphore(%run_scoped3A_320 : memref<!tpu.dma_semaphore, #tpu.memory_space<semaphore_mem>>) src(%arg18 : memref<6400xf32, #tpu.memory_space<vmem>>) dst(%dma_wait3A_324 : memref<6400xf32, #tpu.memory_space<hbm>>)
        tpu.yield
      }) : () -> ()
      %scan3A_319 = arith.constant 0 : i32
      scf.yield %scan3A_319 : i32
    }
    %scan3A_15 = arith.constant 16 : i32
    return
  }
}

module attributes {stable_mosaic.version = 14 : i64} {
  func.func @_mlp_body(%arg0: i32, %arg1: memref<1024x200xf32, #tpu.memory_space<vmem>>, %arg2: memref<1024x200xf32, #tpu.memory_space<vmem>>, %arg3: memref<1024x200xf32, #tpu.memory_space<vmem>>, %arg4: memref<200x10xf32, #tpu.memory_space<vmem>>, %arg5: memref<200x10xf32, #tpu.memory_space<vmem>>, %arg6: memref<200x10xf32, #tpu.memory_space<vmem>>, %arg7: memref<1x10xf32, #tpu.memory_space<vmem>>, %arg8: memref<10x5xf32, #tpu.memory_space<vmem>>, %arg9: memref<1x5xf32, #tpu.memory_space<vmem>>, %arg10: memref<5x3xf32, #tpu.memory_space<vmem>>, %arg11: memref<1x3xf32, #tpu.memory_space<vmem>>, %arg12: memref<1024x3xf32, #tpu.memory_space<vmem>>) attributes {dimension_semantics = [#tpu.dimension_semantics<arbitrary>], iteration_bounds = array<i64: 16>, scalar_prefetch = 0 : i64, scratch_operands = 0 : i64, tpu.core_type = #tpu.core_type<tc>, window_params = [{transform_indices = @transform_0, window_bounds = array<i64: 1024, 200>}, {transform_indices = @transform_1, window_bounds = array<i64: 1024, 200>}, {transform_indices = @transform_2, window_bounds = array<i64: 1024, 200>}, {pipeline_mode = #tpu.pipeline_mode<synchronous>, transform_indices = @transform_3, window_bounds = array<i64: 200, 10>}, {pipeline_mode = #tpu.pipeline_mode<synchronous>, transform_indices = @transform_4, window_bounds = array<i64: 200, 10>}, {pipeline_mode = #tpu.pipeline_mode<synchronous>, transform_indices = @transform_5, window_bounds = array<i64: 200, 10>}, {pipeline_mode = #tpu.pipeline_mode<synchronous>, transform_indices = @transform_6, window_bounds = array<i64: 1, 10>}, {pipeline_mode = #tpu.pipeline_mode<synchronous>, transform_indices = @transform_7, window_bounds = array<i64: 10, 5>}, {pipeline_mode = #tpu.pipeline_mode<synchronous>, transform_indices = @transform_8, window_bounds = array<i64: 1, 5>}, {pipeline_mode = #tpu.pipeline_mode<synchronous>, transform_indices = @transform_9, window_bounds = array<i64: 5, 3>}, {pipeline_mode = #tpu.pipeline_mode<synchronous>, transform_indices = @transform_10, window_bounds = array<i64: 1, 3>}, {transform_indices = @transform_11, window_bounds = array<i64: 1024, 3>}]} {
    %get3A = arith.constant 0 : index
    %get3A_0 = arith.constant 0 : index
    %get3A_1 = vector.load %arg1[%get3A, %get3A_0] : memref<1024x200xf32, #tpu.memory_space<vmem>>, vector<1024x200xf32>
    %get3A_2 = arith.constant 0 : index
    %get3A_3 = arith.constant 0 : index
    %get3A_4 = vector.load %arg4[%get3A_2, %get3A_3] : memref<200x10xf32, #tpu.memory_space<vmem>>, vector<200x10xf32>
    %dot_general3A = arith.constant dense<0.000000e+00> : vector<1024x10xf32>
    %dot_general3A_5 = tpu.matmul %get3A_1, %get3A_4, %dot_general3A {dimension_numbers = #tpu.dot_dimension_numbers<[1], [0], [0], [1], [0, 0, 1, 1], [], []>, transpose_lhs_hint = false} : vector<1024x200xf32>, vector<200x10xf32>, vector<1024x10xf32> -> vector<1024x10xf32>
    %get3A_6 = arith.constant 0 : index
    %get3A_7 = arith.constant 0 : index
    %get3A_8 = vector.load %arg2[%get3A_6, %get3A_7] : memref<1024x200xf32, #tpu.memory_space<vmem>>, vector<1024x200xf32>
    %get3A_9 = arith.constant 0 : index
    %get3A_10 = arith.constant 0 : index
    %get3A_11 = vector.load %arg5[%get3A_9, %get3A_10] : memref<200x10xf32, #tpu.memory_space<vmem>>, vector<200x10xf32>
    %dot_general3A_12 = arith.constant dense<0.000000e+00> : vector<1024x10xf32>
    %dot_general3A_13 = tpu.matmul %get3A_8, %get3A_11, %dot_general3A_12 {dimension_numbers = #tpu.dot_dimension_numbers<[1], [0], [0], [1], [0, 0, 1, 1], [], []>, transpose_lhs_hint = false} : vector<1024x200xf32>, vector<200x10xf32>, vector<1024x10xf32> -> vector<1024x10xf32>
    %add3A = arith.addf %dot_general3A_5, %dot_general3A_13 : vector<1024x10xf32>
    %get3A_14 = arith.constant 0 : index
    %get3A_15 = arith.constant 0 : index
    %get3A_16 = vector.load %arg3[%get3A_14, %get3A_15] : memref<1024x200xf32, #tpu.memory_space<vmem>>, vector<1024x200xf32>
    %get3A_17 = arith.constant 0 : index
    %get3A_18 = arith.constant 0 : index
    %get3A_19 = vector.load %arg6[%get3A_17, %get3A_18] : memref<200x10xf32, #tpu.memory_space<vmem>>, vector<200x10xf32>
    %dot_general3A_20 = arith.constant dense<0.000000e+00> : vector<1024x10xf32>
    %dot_general3A_21 = tpu.matmul %get3A_16, %get3A_19, %dot_general3A_20 {dimension_numbers = #tpu.dot_dimension_numbers<[1], [0], [0], [1], [0, 0, 1, 1], [], []>, transpose_lhs_hint = false} : vector<1024x200xf32>, vector<200x10xf32>, vector<1024x10xf32> -> vector<1024x10xf32>
    %add3A_22 = arith.addf %add3A, %dot_general3A_21 : vector<1024x10xf32>
    %get3A_23 = arith.constant 0 : index
    %get3A_24 = arith.constant 0 : index
    %get3A_25 = vector.load %arg7[%get3A_23, %get3A_24] : memref<1x10xf32, #tpu.memory_space<vmem>>, vector<1x10xf32>
    %add3A_26 = vector.broadcast %get3A_25 : vector<1x10xf32> to vector<1024x10xf32>
    %add3A_27 = arith.addf %add3A_22, %add3A_26 : vector<1024x10xf32>
    %max3A = arith.constant 0.000000e+00 : f32
    %max3A_28 = vector.broadcast %max3A : f32 to vector<1024x10xf32>
    %max3A_29 = arith.maximumf %add3A_27, %max3A_28 : vector<1024x10xf32>
    %get3A_30 = arith.constant 0 : index
    %get3A_31 = arith.constant 0 : index
    %get3A_32 = vector.load %arg8[%get3A_30, %get3A_31] : memref<10x5xf32, #tpu.memory_space<vmem>>, vector<10x5xf32>
    %dot_general3A_33 = arith.constant dense<0.000000e+00> : vector<1024x5xf32>
    %dot_general3A_34 = tpu.matmul %max3A_29, %get3A_32, %dot_general3A_33 {dimension_numbers = #tpu.dot_dimension_numbers<[1], [0], [0], [1], [0, 0, 1, 1], [], []>, transpose_lhs_hint = false} : vector<1024x10xf32>, vector<10x5xf32>, vector<1024x5xf32> -> vector<1024x5xf32>
    %get3A_35 = arith.constant 0 : index
    %get3A_36 = arith.constant 0 : index
    %get3A_37 = vector.load %arg9[%get3A_35, %get3A_36] : memref<1x5xf32, #tpu.memory_space<vmem>>, vector<1x5xf32>
    %add3A_38 = vector.broadcast %get3A_37 : vector<1x5xf32> to vector<1024x5xf32>
    %add3A_39 = arith.addf %dot_general3A_34, %add3A_38 : vector<1024x5xf32>
    %max3A_40 = arith.constant 0.000000e+00 : f32
    %max3A_41 = vector.broadcast %max3A_40 : f32 to vector<1024x5xf32>
    %max3A_42 = arith.maximumf %add3A_39, %max3A_41 : vector<1024x5xf32>
    %get3A_43 = arith.constant 0 : index
    %get3A_44 = arith.constant 0 : index
    %get3A_45 = vector.load %arg10[%get3A_43, %get3A_44] : memref<5x3xf32, #tpu.memory_space<vmem>>, vector<5x3xf32>
    %dot_general3A_46 = arith.constant dense<0.000000e+00> : vector<1024x3xf32>
    %dot_general3A_47 = tpu.matmul %max3A_42, %get3A_45, %dot_general3A_46 {dimension_numbers = #tpu.dot_dimension_numbers<[1], [0], [0], [1], [0, 0, 1, 1], [], []>, transpose_lhs_hint = false} : vector<1024x5xf32>, vector<5x3xf32>, vector<1024x3xf32> -> vector<1024x3xf32>
    %get3A_48 = arith.constant 0 : index
    %get3A_49 = arith.constant 0 : index
    %get3A_50 = vector.load %arg11[%get3A_48, %get3A_49] : memref<1x3xf32, #tpu.memory_space<vmem>>, vector<1x3xf32>
    %add3A_51 = vector.broadcast %get3A_50 : vector<1x3xf32> to vector<1024x3xf32>
    %add3A_52 = arith.addf %dot_general3A_47, %add3A_51 : vector<1024x3xf32>
    %neg3A = arith.constant 0.000000e+00 : f32
    %neg3A_53 = vector.broadcast %neg3A : f32 to vector<1024x3xf32>
    %neg3A_54 = arith.subf %neg3A_53, %add3A_52 : vector<1024x3xf32>
    %exp3A = math.exp %neg3A_54 : vector<1024x3xf32>
    %add3A_55 = arith.constant 1.000000e+00 : f32
    %add3A_56 = vector.broadcast %add3A_55 : f32 to vector<1024x3xf32>
    %add3A_57 = arith.addf %add3A_56, %exp3A : vector<1024x3xf32>
    %div3A = arith.constant 1.000000e+00 : f32
    %div3A_58 = vector.broadcast %div3A : f32 to vector<1024x3xf32>
    %div3A_59 = arith.divf %div3A_58, %add3A_57 : vector<1024x3xf32>
    %swap3A = arith.constant 0 : index
    %swap3A_60 = arith.constant 0 : index
    %swap3A_61 = vector.load %arg12[%swap3A, %swap3A_60] : memref<1024x3xf32, #tpu.memory_space<vmem>>, vector<1024x3xf32>
    tpu.vector_store %arg12[%swap3A, %swap3A_60], %div3A_59 {strides = array<i32>} : memref<1024x3xf32, #tpu.memory_space<vmem>>, vector<1024x3xf32>,
    return
  }
  func.func @transform_0(%arg0: i32) -> (i32, i32) {
    %c0_i32 = arith.constant 0 : i32
    %c0_i32_0 = arith.constant 0 : i32
    return %arg0, %c0_i32 : i32, i32
  }
  func.func @transform_1(%arg0: i32) -> (i32, i32) {
    %c0_i32 = arith.constant 0 : i32
    %c0_i32_0 = arith.constant 0 : i32
    return %arg0, %c0_i32 : i32, i32
  }
  func.func @transform_2(%arg0: i32) -> (i32, i32) {
    %c0_i32 = arith.constant 0 : i32
    %c0_i32_0 = arith.constant 0 : i32
    return %arg0, %c0_i32 : i32, i32
  }
  func.func @transform_3(%arg0: i32) -> (i32, i32) {
    %c0_i32 = arith.constant 0 : i32
    %c0_i32_0 = arith.constant 0 : i32
    %c0_i32_1 = arith.constant 0 : i32
    return %c0_i32, %c0_i32_0 : i32, i32
  }
  func.func @transform_4(%arg0: i32) -> (i32, i32) {
    %c0_i32 = arith.constant 0 : i32
    %c0_i32_0 = arith.constant 0 : i32
    %c0_i32_1 = arith.constant 0 : i32
    return %c0_i32, %c0_i32_0 : i32, i32
  }
  func.func @transform_5(%arg0: i32) -> (i32, i32) {
    %c0_i32 = arith.constant 0 : i32
    %c0_i32_0 = arith.constant 0 : i32
    %c0_i32_1 = arith.constant 0 : i32
    return %c0_i32, %c0_i32_0 : i32, i32
  }
  func.func @transform_6(%arg0: i32) -> (i32, i32) {
    %c0_i32 = arith.constant 0 : i32
    %c0_i32_0 = arith.constant 0 : i32
    %c0_i32_1 = arith.constant 0 : i32
    return %c0_i32, %c0_i32_0 : i32, i32
  }
  func.func @transform_7(%arg0: i32) -> (i32, i32) {
    %c0_i32 = arith.constant 0 : i32
    %c0_i32_0 = arith.constant 0 : i32
    %c0_i32_1 = arith.constant 0 : i32
    return %c0_i32, %c0_i32_0 : i32, i32
  }
  func.func @transform_8(%arg0: i32) -> (i32, i32) {
    %c0_i32 = arith.constant 0 : i32
    %c0_i32_0 = arith.constant 0 : i32
    %c0_i32_1 = arith.constant 0 : i32
    return %c0_i32, %c0_i32_0 : i32, i32
  }
  func.func @transform_9(%arg0: i32) -> (i32, i32) {
    %c0_i32 = arith.constant 0 : i32
    %c0_i32_0 = arith.constant 0 : i32
    %c0_i32_1 = arith.constant 0 : i32
    return %c0_i32, %c0_i32_0 : i32, i32
  }
  func.func @transform_10(%arg0: i32) -> (i32, i32) {
    %c0_i32 = arith.constant 0 : i32
    %c0_i32_0 = arith.constant 0 : i32
    %c0_i32_1 = arith.constant 0 : i32
    return %c0_i32, %c0_i32_0 : i32, i32
  }
  func.func @transform_11(%arg0: i32) -> (i32, i32) {
    %c0_i32 = arith.constant 0 : i32
    %c0_i32_0 = arith.constant 0 : i32
    return %arg0, %c0_i32 : i32, i32
  }
}

</mosaic_0001>

<sc_bundles>
// kernel: kernel.4.cloned.1.call-start
scs
__scs_entry_jumppad:
0x0: {  	(pc) =	sbr.rel $0x88, $3  }
0x1: {  	(tag) =	ssettag $0x0;
	lr =	simm.s32 $0x1  }
0x2: {  	[smem:$0x3F99] =	sst lr;
	_ =	strace $0xD0000000  }
0x3: {  	_ = 	snop  }
0x4: {  	_ = 	snop  }
0x5: {  	_ = 	snop  }
0x6: {  	_ = 	snop  }
0x7: {  	_ = 	snop  }
__scs_overlays_trampoline_lowered:
0x8: {  	[smem:$0x3FA8] =	sst s0  }
0x9: {  	[smem:$0x3FA9] =	sst s1  }
0xa: {  	[smem:$0x3FAA] =	sst s2  }
0xb: {  	[smem:$0x3FAB] =	sst s3  }
0xc: {  	[smem:$0x3FAC] =	sst s4  }
0xd: {  	[smem:$0x3FAD] =	sst s5  }
0xe: {  	[smem:$0x3FAE] =	sst s6  }
0xf: {  	[smem:$0x3FAF] =	sst s7  }
0x10: {  	[smem:$0x3FB0] =	sst s8  }
0x11: {  	[smem:$0x3FB1] =	sst s9;
	s0 =	simm.s32 @!p0 $0x0  }
0x12: {  	s1 =	sld [smem:$0x3F97];
	s0 =	simm.s32 @p0 $0x1  }
0x13: {  	[smem:$0x3FB2] =	sst s0;
	s0 =	simm.s32 @!p1 $0x0  }
0x14: {  	s2 =	sld [smem:$0x3F96];
	s0 =	simm.s32 @p1 $0x1  }
0x15: {  	[smem:$0x3FB3] =	sst s0;
	s0 =	simm.s32 @!p2 $0x0  }
0x16: {  	s3 =	sld [smem:$0x3FDB];
	s0 =	simm.s32 @p2 $0x1  }
0x17: {  	s4 =	simm.s32 $0x1BF5;
	[smem:$0x3FB5] =	sst s0  }
0x18: {  	s0 =	sld [smem:$0x3F98];
	_ =	swait.ge [sflag:s4], $0x0  }
0x19: {  	s7 =	sld [smem:$0x3F99]  }
0x1a: {  	s8 =	sadd.s32 $0xFFFFE003, lr  }
0x1b: {  	s9 =	sadd.s32 $0xFFFFFEF7, lr;
	s5 =	simm.s32 $0xFFFFFFFF;
	p2 =	slt.u32 s8, $0xFFFFF086  }
0x1c: {  	p1 =	slt.u32 s9, $0xF7A;
	s5 =	simm.s32 @!p2 $0x0  }
0x1d: {  	s5 =	simm.s32 @p1 $0x1;
	p0 =	seq.s32 s7, s2  }
0x1e: {  	s7 =	smul.u32 @!p0 $0xF7A, s2;
	p2 =	seq.s32 @!p0 s5, $0x0  }
0x1f: {  	s9 =	smul.u32 $0xF7A, s1;
	s8 =	simm.s32 @!p0 $0x1BF5;
	p2 =	por !p2, p0  }
0x20: {  	[sflag:s8] =	ssyncset.s32 @!p0 $0xFFFFF086;
	s6 =	sadd.s32 @!p0 s3, s7;
	s7 =	simm.s32 @!p0 $0x108  }
0x21: {  	s3 =	sadd.s32 s3, s9;
	s6 =	sadd.s32 @!p0 $0x88, s6;
	s7 =	simm.s32 @p2 $0x1082  }
0x22: {  	[simem:s7], [sflag:s8] =	dma.local @!p0 [hbm:s6], $0xF7A  }
0x23: {  	s9 =	sor.u32 $0xD0000000, s2;
	s6 =	simm.s32 $0x108;
	_ =	swait.ge @!p0 [sflag:s8], $0x0  }
0x24: {  	s3 =	sadd.s32 $0x88, s3;
	s6 =	simm.s32 @!p1 $0x1082;
	[sflag:s4] =	ssyncset.s32 $0xFFFFF086  }
0x25: {  	[simem:s6], [sflag:s4] =	dma.local [hbm:s3], $0xF7A  }
0x26: {  	[smem:$0x3F99] =	sst s1;
	(tag) =	ssettag s2;
	_ =	strace s9  }
0x27: {  	s1 =	sld [smem:$0x3FA9]  }
0x28: {  	s2 =	sld [smem:$0x3FAA]  }
0x29: {  	s4 =	sld [smem:$0x3FAC]  }
0x2a: {  	p0 =	seq.s32 s5, $0x0;
	s5 =	sld [smem:$0x3FAD]  }
0x2b: {  	s6 =	sld [smem:$0x3FAE]  }
0x2c: {  	s7 =	sld [smem:$0x3FAF]  }
0x2d: {  	s3 =	simm.s32 $0x108;
	s8 =	sld [smem:$0x3FB0]  }
0x2e: {  	s3 =	simm.s32 @!p0 $0x1082;
	s9 =	sld [smem:$0x3FB1]  }
0x2f: {  	lr =	sadd.s32 s0, s3;
	s0 =	sld [smem:$0x3FA8]  }
0x30: {  	s3 =	sld [smem:$0x3FAB]  }
0x31: {  	[smem:$0x3FB4] =	sst s10  }
0x32: {  	s10 =	sld [smem:$0x3FB2];
	_ =	sdelay $0x3  }
0x33: {  	p0 =	seq.s32 s10, $0x1;
	s10 =	sld [smem:$0x3FB4];
	_ =	sdelay $0x3  }
0x34: {  	[smem:$0x3FB4] =	sst s10  }
0x35: {  	s10 =	sld [smem:$0x3FB3];
	_ =	sdelay $0x3  }
0x36: {  	p1 =	seq.s32 s10, $0x1;
	s10 =	sld [smem:$0x3FB4];
	_ =	sdelay $0x3  }
0x37: {  	[smem:$0x3FB4] =	sst s10  }
0x38: {  	s10 =	sld [smem:$0x3FB5]  }
0x39: {  	_ = 	snop;
	(pc) =	sbr.ind lr, $3  }
0x3a: {  	_ = 	snop  }
0x3b: {  	_ = 	snop  }
0x3c: {  	p2 =	seq.s32 s10, $0x1;
	s10 =	sld [smem:$0x3FB4]  }
0x3d: {  	_ =	shalt  }
0x3e: {  	_ =	shalt  }
0x3f: {  	_ =	shalt  }
0x40: {  	_ =	shalt  }
0x41: {  	_ =	shalt  }
0x42: {  	_ =	shalt  }
0x43: {  	_ =	shalt  }
0x44: {  	_ =	shalt  }
0x45: {  	_ =	shalt  }
0x46: {  	_ =	shalt  }
0x47: {  	_ =	shalt  }
0x48: {  	_ =	shalt  }
0x49: {  	_ =	shalt  }
0x4a: {  	_ =	shalt  }
0x4b: {  	_ =	shalt  }
0x4c: {  	_ =	shalt  }
0x4d: {  	_ =	shalt  }
0x4e: {  	_ =	shalt  }
0x4f: {  	_ =	shalt  }
0x50: {  	_ =	shalt  }
0x51: {  	_ =	shalt  }
0x52: {  	_ =	shalt  }
0x53: {  	_ =	shalt  }
0x54: {  	_ =	shalt  }
0x55: {  	_ =	shalt  }
0x56: {  	_ =	shalt  }
0x57: {  	_ =	shalt  }
0x58: {  	_ =	shalt  }
0x59: {  	_ =	shalt  }
0x5a: {  	_ =	shalt  }
0x5b: {  	_ =	shalt  }
0x5c: {  	_ =	shalt  }
0x5d: {  	_ =	shalt  }
0x5e: {  	_ =	shalt  }
0x5f: {  	_ =	shalt  }
0x60: {  	_ =	shalt  }
0x61: {  	_ =	shalt  }
0x62: {  	_ =	shalt  }
0x63: {  	_ =	shalt  }
0x64: {  	_ =	shalt  }
0x65: {  	_ =	shalt  }
0x66: {  	_ =	shalt  }
0x67: {  	_ =	shalt  }
0x68: {  	_ =	shalt  }
0x69: {  	_ =	shalt  }
0x6a: {  	_ =	shalt  }
0x6b: {  	_ =	shalt  }
0x6c: {  	_ =	shalt  }
0x6d: {  	_ =	shalt  }
0x6e: {  	_ =	shalt  }
0x6f: {  	_ =	shalt  }
0x70: {  	_ =	shalt  }
0x71: {  	_ =	shalt  }
0x72: {  	_ =	shalt  }
0x73: {  	_ =	shalt  }
0x74: {  	_ =	shalt  }
0x75: {  	_ =	shalt  }
0x76: {  	_ =	shalt  }
0x77: {  	_ =	shalt  }
0x78: {  	_ =	shalt  }
0x79: {  	_ =	shalt  }
0x7a: {  	_ =	shalt  }
0x7b: {  	_ =	shalt  }
0x7c: {  	_ =	shalt  }
0x7d: {  	_ =	shalt  }
0x7e: {  	_ =	shalt  }
0x7f: {  	_ =	shalt  }
0x80: {  	_ =	shalt  }
0x81: {  	_ =	shalt  }
0x82: {  	_ =	shalt  }
0x83: {  	_ =	shalt  }
0x84: {  	_ =	shalt  }
0x85: {  	_ =	shalt  }
0x86: {  	_ =	shalt  }
0x87: {  	_ =	shalt  }
.Lfunc_end0:
.L_simem_size_0:
called_computation_lowered:
.L_overlay_start_0:
0x88: {  	s2 =	sld [smem:$0x3FD9]  }
0x89: {  	s3 =	sld [smem:$0x3FFE];
	_ =	sdelay $0x1  }
0x8a: {  	s1 =	srdreg.scid  }
0x8b: {  	s0 =	sand.u32 $0x1, s1  }
0x8c: {  	s17 =	sshll.u32 s0, $0xA;
	s2 =	sadd.s32 s3, s2  }
0x8d: {  	s3 =	sadd.s32 s2, s17  }
0x8e: {  	[smem:$0x3FC0] =	sst s3  }
0x8f: {  	_ = 	snop  }
0x90: {  	(tm) =	ssettm $0x1  }
0x91: {  	s18 =	sld [smem:$0x3FFB];
	_ =	sdelay $0x3  }
0x92: {  	_ =	strace s18  }
0x93: {  	s3 =	sld [smem:$0x3FFC];
	_ =	sdelay $0x3  }
0x94: {  	_ =	strace s3  }
0x95: {  	s3 =	sld [smem:$0x3FFD];
	_ =	sdelay $0x3  }
0x96: {  	_ =	strace s3  }
0x97: {  	_ =	strace $0x8FFFFFFF  }
0x98: {  	s19 =	sld [smem:$0x3FDB];
	_ =	sdelay $0x1  }
0x99: {  	s4 =	simm.s32 $_scs_section_size  }
0x9a: {  	s5 =	simm.s32 $_size__tile_overlayer_lowered;
	s6 =	simm.s32 $_tile_overlayer_lowered  }
0x9b: {  	s22 =	simm.s32 $0x1BFF;
	s21 =	sshll.u32 s6, $0x1;
	s3 =	sadd.s32 s4, s19  }
0x9c: {  	s7 =	simm.s32 $0x0;
	s20 =	sshll.u32 s5, $0x1;
	s5 =	sadd.s32 s21, s3  }
0x9d: {  	[timem:s7], [sflag:s22] =	dma.local [hbm:s5], s20  }
0x9e: {  	_ =	swait.ge [sflag:s22], s20  }
0x9f: {  	s4 =	ssub.s32 $0x0, s20;
	[sflag:s22] =	ssyncset.done $0x0  }
0xa0: {  	[sflag:s22] =	ssyncadd.s32 s4;
	_ =	sdelay $0x1  }
0xa1: {  	s23 =	simm.s32 $0x1B8B  }
0xa2: {  	_ =	swait.ge [sflag:s23], $0x1  }
0xa3: {  	[sflag:s23] =	ssyncset.done $0x0  }
0xa4: {  	s25 =	simm.s32 $0x1B8E;
	s24 =	sld [smem:$0x3FFE];
	[sflag:s23] =	ssyncadd.s32 $0xFFFFFFFF  }
0xa5: {  	s26 =	simm.s32 $execute0_lowered;
	[smem:$0x3FD2] =	sst s25  }
0xa6: {  	s5 =	sshll.u32 s26, $0x1;
	_ =	strace $0x80000046;
	[dreg:$0x1] =	wrdreg $0xFFFFFFFF  }
0xa7: {  	s28 =	simm.s32 $_size_execute0_lowered;
	s3 =	sadd.s32 s3, s5;
	[dreg:$0x0] =	wrdreg $0x0  }
0xa8: {  	s5 =	sshll.u32 s28, $0x1;
	[dreg:$0x2] =	wrdreg s3  }
0xa9: {  	[dreg:$0x3] =	wrdreg s5  }
0xaa: {  	[dreg:$0x4] =	wrdreg $0xC0  }
0xab: {  	_ =	task [dreg:s7], $0x5FFFF  }
0xac: {  	[dreg:$0x1] =	wrdreg $0xFFFFFFFF  }
0xad: {  	[dreg:$0x0] =	wrdreg $0x60  }
0xae: {  	s2 =	sadd.s32 $0x800, s2;
	[dreg:$0x2] =	wrdreg s24  }
0xaf: {  	[dreg:$0x3] =	wrdreg s2  }
0xb0: {  	[dreg:$0x4] =	wrdreg $0x9  }
0xb1: {  	_ =	task.clear_ibuf [dreg:s7], $0x5FFFF;
	_ =	strace $0x90000046  }
0xb2: {  	s29 =	simm.s32 $0x9;
	_ =	strace $0x80000048  }
0xb3: {  	_ =	swait.ge [sflag:s29], $0x1  }
0xb4: {  	[sflag:s29] =	ssyncadd.s32 $0xFFFFFFFF  }
0xb5: {  	_ =	strace $0x90000048  }
0xb6: {  	_ =	sfence  }
0xb7: {  	s30 =	sld [smem:$0x0];
	_ =	sdelay $0x2  }
0xb8: {  	s31 =	sshll.u32 s1, $0xD;
	s1 =	sshrl.u32 s1, $0x2  }
0xb9: {  	s3 =	sand.u32 $0x4000, s31;
	s1 =	sadd.s32 s1, s30  }
0xba: {  	s0 =	sor.u32 s3, s0;
	s1 =	sshll.u32 s1, $0x11  }
0xbb: {  	s0 =	sor.u32 s1, s0  }
0xbc: {  	s0 =	sadd.s32 $0x8F2B, s0  }
0xbd: {  	[sflag:s0] =	ssyncadd.remote.s32 $0x1  }
0xbe: {  	_ =	sfence.sel $0xFFFF  }
0xbf: {  	[dreg:$0x0] =	wrdreg $0xFFFFFFFF;
	(pc) =	sbr.abs _section_cstart, $3  }
0xc0: {  	[dreg:$0x1] =	wrdreg $0xFFFFFFFF  }
0xc1: {  	_ =	task.clear_ibuf [dreg:s7], $0x2FFFF;
	_ =	strace $0x9FFFFFFF  }
0xc2: {  	(tm) =	ssettm $0x7FFFFFFF  }
0xc3: {  	_ =	shalt  }
tec
execute0_lowered:
.L_overlay_start_1:
0x0: {  	(tag) =	ssettag $0x1  }
0x1: {  	s0 =	rddreg [dreg:$0x0]  }
0x2: {  	s2 =	rddreg [dreg:$0x1]  }
0x3: {  	s3 =	simm.s32 $0x0;
	s1 =	srdreg.scid;
	s26 =	stileid.u32  }
0x4: {  	s14 =	simm.s32 $0x4;
	s15 =	simm.s32 $0x960;
	s16 =	simm.s32 $0x3  }
0x5: {  	s18 =	simm.s32 $0x190;
	s19 =	simm.s32 $0x5460;
	s28 =	simm.s32 $0xB860  }
0x6: {  	s29 =	simm.s32 $0xC4E0;
	s30 =	simm.s32 $0xD160;
	s31 =	simm.s32 $0xDDE0  }
0x7: {  	s17 =	simm.s32 $0xF6E0;
	s12 =	simm.s32 $0x10360;
	s13 =	simm.s32 $0x10FE0  }
0x8: {  	s8 =	simm.s32 $0x14E60;
	[smem:$0x7FF] =	sst s3;
	s1 =	sand.u32 $0x1, s1  }
0x9: {  	s4 =	sadd.s32 $0x5DA00, s0;
	s6 =	sadd.s32 $0x3F000, s0;
	s20 =	sadd.s32 $0x20600, s0  }
0xa: {  	s21 =	sadd.s32 $0x1C00, s0;
	s9 =	sadd.s32 $0xC1A00, s0;
	s10 =	sadd.s32 $0x125A00, s0  }
0xb: {  	s5 =	sshll.u32 s26, $0x1;
	s11 =	sadd.s32 $0x189A00, s0;
	_ =	strace $0x80000047  }
0xc: {  	s5 =	sor.u32 s1, s5;
	[dreg:$0x3] =	wrdreg s6;
	s1 =	ssub.s32 $0x2, s1  }
0xd: {  	[dreg:$0x4] =	wrdreg s20;
	s7 =	smul.u32 $0x19000, s5;
	s22 =	sshrl.u32 s1, $0x1  }
0xe: {  	[dreg:$0x5] =	wrdreg s21;
	s6 =	simm.s32 $0x13560;
	s24 =	ssub.s32 s1, s22  }
0xf: {  	s21 =	simm.s32 $0x0;
	s23 =	sshrl.u32 s7, $0x3;
	s0 =	smax.u32 s24, $0x1  }
0x10: {  	v0 =	vlaneseq.u32;
	s5 =	simm.s32 $0x11C60;
	s25 =	sadd.s32 s4, s23;
	[dreg:$0x7] =	wrdreg s0  }
0x11: {  	v0 =	vmul.u32 $0x8, v0;
	s1 =	simm.s32 $0x1;
	s0 =	simm.s32 $0xEA60;
	[dreg:$0x6] =	wrdreg s25  }
.LBB2_1:
.Ltmp0:
0x12: {  	(pc) =	sbr.rel .LBB2_2-.Ltmp0, $2  }
0x13: {  	_ =	sdelay $0x2  }
0x14: {  	[dreg:$0x8] =	wrdreg s21;
	s20 =	simm.s32 $0x0  }
.LBB2_6:
0x15: {  	s20 =	sadd.s32 $0x1, s20  }
0x16: {  	p0 =	sne.s32 s20, $0x4F  }
.Ltmp1:
0x17: {  	_ = 	snop;
	(pc) =	sbr.rel @!p0 .LBB2_7-.Ltmp1, $1  }
0x18: {  	_ =	sdelay $0x3  }
.LBB2_2:
0x19: {  	s21 =	sshll.u32 s20, $0x4  }
0x1a: {  	s21 =	sor.u32 s26, s21  }
0x1b: {  	p0 =	sgt.u32 s21, $0x4E1  }
.Ltmp2:
0x1c: {  	_ = 	snop;
	(pc) =	sbr.rel @p0 .LBB2_6-.Ltmp2, $1  }
0x1d: {  	_ =	sdelay $0x3  }
0x1e: {  	s24 =	smul.u32 $0x64, s21  }
0x1f: {  	s22 =	rddreg [dreg:$0x3]  }
0x20: {  	s23 =	sadd.s32 s22, s24;
	s22 =	simm.s32 $0x0  }
0x21: {  	[tilespmem:s22], [sflag:$0x4] =	stream.linear.gather [hbm4b:s23+s22], $0x320, $0x38;
	[tilespmem:$0x16760] =	vst v63  }
0x22: {  	_ =	swait.ge [sflag:s14], $0x320  }
0x23: {  	[sflag:s14] =	ssyncset.done $0x0;
	s25 =	rddreg [dreg:$0x4]  }
0x24: {  	s23 =	simm.s32 $0x320;
	[sflag:s14] =	ssyncadd.s32 $0xFFFFFCE0;
	s25 =	sadd.s32 s25, s24  }
0x25: {  	[tilespmem:s23], [sflag:$0x4] =	stream.linear.gather [hbm4b:s25+s22], $0x320, $0x38;
	[tilespmem:$0x16760] =	vst v63  }
0x26: {  	_ =	swait.ge [sflag:s14], $0x320  }
0x27: {  	[sflag:s14] =	ssyncset.done $0x0;
	s25 =	rddreg [dreg:$0x5]  }
0x28: {  	[sflag:s14] =	ssyncadd.s32 $0xFFFFFCE0;
	s25 =	sadd.s32 s25, s24;
	s24 =	simm.s32 $0x640  }
0x29: {  	[tilespmem:s24], [sflag:$0x4] =	stream.linear.gather [hbm4b:s25+s22], $0x320, $0x38;
	[tilespmem:$0x16760] =	vst v63  }
0x2a: {  	_ =	swait.ge [sflag:s14], $0x320  }
0x2b: {  	v1 =	vmov s22;
	[sflag:s14] =	ssyncset.done $0x0  }
0x2c: {  	v1 =	vshll.u32 v1, $0x3;
	[sflag:s14] =	ssyncadd.s32 $0xFFFFFCE0  }
0x2d: {  	v3 =	vor.u32 v0, v1;
	v2 =	vld [tilespmem:s22+$0x0];
	_ =	sdelay $0x4  }
0x2e: {  	[tilespmem:v3+s15+$0x0] =	vst.idx.msk $0xffff, v2  }
0x2f: {  	v2 =	vor.u32 $0x1, v3;
	v1 =	vld [tilespmem:s23+$0x0];
	_ =	sdelay $0x4  }
0x30: {  	[tilespmem:v2+s15+$0x0] =	vst.idx.msk $0xffff, v1  }
0x31: {  	v2 =	vor.u32 $0x2, v3;
	v1 =	vld [tilespmem:s24+$0x0];
	_ =	sdelay $0x2  }
0x32: {  	s25 =	simm.s32 $0x10  }
0x33: {  	v3 =	vmov s25;
	s25 =	simm.s32 $0x20  }
.LBB2_4:
0x34: {  	p0 =	sne.s32 s25, $0x310;
	v3 =	vshll.u32 v3, $0x3;
	[tilespmem:v2+s15+$0x0] =	vst.idx.msk $0xffff, v1;
	s22 =	sadd.s32 $0x10, s22  }
0x35: {  	v1 =	vld [tilespmem:s22+$0x0];
	v2 =	vor.u32 v0, v3;
	_ =	sdelay $0x4  }
0x36: {  	s23 =	sadd.s32 $0x10, s23;
	[tilespmem:v2+s15+$0x0] =	vst.idx.msk $0xffff, v1  }
0x37: {  	v3 =	vor.u32 $0x1, v2;
	v1 =	vld [tilespmem:s23+$0x0];
	_ =	sdelay $0x4  }
0x38: {  	s24 =	sadd.s32 $0x10, s24;
	[tilespmem:v3+s15+$0x0] =	vst.idx.msk $0xffff, v1  }
.Ltmp3:
0x39: {  	v2 =	vor.u32 $0x2, v2;
	v1 =	vld [tilespmem:s24+$0x0];
	(pc) =	sbr.rel @p0 .LBB2_4-.Ltmp3, $2  }
0x3a: {  	_ =	sdelay $0x2  }
0x3b: {  	v3 =	vmov s25;
	s25 =	sadd.s32 $0x10, s25  }
0x3c: {  	_ =	sdelay $0x3  }
0x3d: {  	v3 =	vshll.u32 v3, $0x3;
	[tilespmem:v2+s15+$0x0] =	vst.idx.msk $0xffff, v1;
	s22 =	sadd.s32 $0x10, s22  }
0x3e: {  	v1 =	vld [tilespmem:s22+$0x0];
	v2 =	vor.u32 v0, v3;
	_ =	sdelay $0x4  }
0x3f: {  	s23 =	sadd.s32 $0x10, s23;
	[tilespmem:v2+s15+$0x0] =	vst.idx.msk $0xffff, v1  }
0x40: {  	v3 =	vor.u32 $0x1, v2;
	v1 =	vld [tilespmem:s23+$0x0];
	_ =	sdelay $0x4  }
0x41: {  	s25 =	sadd.s32 $0x10, s24;
	[tilespmem:v3+s15+$0x0] =	vst.idx.msk $0xffff, v1  }
0x42: {  	v2 =	vor.u32 $0x2, v2;
	v1 =	vld [tilespmem:s25+$0x0];
	_ =	sdelay $0x2  }
0x43: {  	s21 =	smul.u32 $0x320, s21;
	_ =	sdelay $0x1  }
.Ltmp4:
0x44: {  	s21 =	sadd.s32 s21, s2;
	[tilespmem:v2+s15+$0x0] =	vst.idx.msk $0xffff, v1;
	(pc) =	sbr.rel .LBB2_6-.Ltmp4, $4  }
0x45: {  	[hbm4b:s21+s3] =	stream.linear.scatter [tilespmem:s15], [sflag:$0x3], $0x1900, $0x38;
	[tilespmem:$0x16760] =	vst v63  }
0x46: {  	_ =	swait.ge [sflag:s16], $0x1900  }
0x47: {  	[sflag:s16] =	ssyncset.done $0x0  }
0x48: {  	[sflag:s16] =	ssyncadd.s32 $0xFFFFE700  }
.LBB2_7:
0x49: {  	[bflag:$0x0] =	sbarrier.arrive $0xFFFF  }
0x4a: {  	s20 =	simm.s32 $0x0;
	s22 =	simm.s32 $0x2260;
	s21 =	rddreg [dreg:$0x6]  }
0x4b: {  	[tilespmem:s22], [sflag:$0x3] =	stream.linear.gather [hbm4b:s21+s20], $0x1900, $0x38;
	[tilespmem:$0x16760] =	vst v63  }
0x4c: {  	_ =	swait.ge [sflag:s16], $0x1900  }
0x4d: {  	[sflag:s16] =	ssyncset.done $0x0  }
0x4e: {  	s21 =	simm.s32 $0x0;
	[sflag:s16] =	ssyncadd.s32 $0xFFFFE700  }
.LBB2_8:
0x4f: {  	s25 =	sand.u32 $0x1, s21  }
0x50: {  	s22 =	smov.u32 s21;
	s21 =	simm.s32 $0x1900;
	p0 =	seq.s32 s25, $0x1  }
0x51: {  	s21 =	simm.s32 @!p0 $0x0  }
0x52: {  	s23 =	sor.u32 $0x2260, s21  }
0x53: {  	[tilespmem:s19], [sflag:$0x1] =	stream.indirect.gather [hbm4b:s2+s18], $0x8, s23, s18, $0xb8;
	[tilespmem:$0x16760] =	vst v63  }
0x54: {  	s24 =	simm.s32 $0x60E0;
	s26 =	sadd.s32 $0x23F0, s21  }
0x55: {  	[tilespmem:s24], [sflag:$0x1] =	stream.indirect.gather [hbm4b:s2+s18], $0x8, s26, s18, $0xb8;
	[tilespmem:$0x16760] =	vst v63  }
0x56: {  	s25 =	sadd.s32 $0x2580, s21;
	s26 =	simm.s32 $0x6D60  }
0x57: {  	[tilespmem:s26], [sflag:$0x1] =	stream.indirect.gather [hbm4b:s2+s18], $0x8, s25, s18, $0xb8;
	[tilespmem:$0x16760] =	vst v63  }
0x58: {  	s25 =	sadd.s32 $0x2710, s21;
	s26 =	simm.s32 $0x79E0  }
0x59: {  	[tilespmem:s26], [sflag:$0x1] =	stream.indirect.gather [hbm4b:s2+s18], $0x8, s25, s18, $0xb8;
	[tilespmem:$0x16760] =	vst v63  }
0x5a: {  	s25 =	sadd.s32 $0x28A0, s21;
	s26 =	simm.s32 $0x8660  }
0x5b: {  	[tilespmem:s26], [sflag:$0x1] =	stream.indirect.gather [hbm4b:s2+s18], $0x8, s25, s18, $0xb8;
	[tilespmem:$0x16760] =	vst v63  }
0x5c: {  	s25 =	sadd.s32 $0x2A30, s21;
	s26 =	simm.s32 $0x92E0  }
0x5d: {  	[tilespmem:s26], [sflag:$0x1] =	stream.indirect.gather [hbm4b:s2+s18], $0x8, s25, s18, $0xb8;
	[tilespmem:$0x16760] =	vst v63  }
0x5e: {  	s25 =	sadd.s32 $0x2BC0, s21;
	s26 =	simm.s32 $0x9F60  }
0x5f: {  	[tilespmem:s26], [sflag:$0x1] =	stream.indirect.gather [hbm4b:s2+s18], $0x8, s25, s18, $0xb8;
	[tilespmem:$0x16760] =	vst v63  }
0x60: {  	s25 =	sadd.s32 $0x2D50, s21;
	s26 =	simm.s32 $0xABE0  }
0x61: {  	[tilespmem:s26], [sflag:$0x1] =	stream.indirect.gather [hbm4b:s2+s18], $0x8, s25, s18, $0xb8;
	[tilespmem:$0x16760] =	vst v63  }
0x62: {  	s25 =	sadd.s32 $0x2EE0, s21  }
0x63: {  	[tilespmem:s28], [sflag:$0x1] =	stream.indirect.gather [hbm4b:s2+s18], $0x8, s25, s18, $0xb8;
	[tilespmem:$0x16760] =	vst v63  }
0x64: {  	s26 =	sadd.s32 $0x3070, s21  }
0x65: {  	[tilespmem:s29], [sflag:$0x1] =	stream.indirect.gather [hbm4b:s2+s18], $0x8, s26, s18, $0xb8;
	[tilespmem:$0x16760] =	vst v63  }
0x66: {  	s24 =	sadd.s32 $0x3200, s21  }
0x67: {  	[tilespmem:s30], [sflag:$0x1] =	stream.indirect.gather [hbm4b:s2+s18], $0x8, s24, s18, $0xb8;
	[tilespmem:$0x16760] =	vst v63  }
0x68: {  	s25 =	sadd.s32 $0x3390, s21  }
0x69: {  	[tilespmem:s31], [sflag:$0x1] =	stream.indirect.gather [hbm4b:s2+s18], $0x8, s25, s18, $0xb8;
	[tilespmem:$0x16760] =	vst v63  }
0x6a: {  	s26 =	sadd.s32 $0x3520, s21  }
0x6b: {  	[tilespmem:s0], [sflag:$0x1] =	stream.indirect.gather [hbm4b:s2+s18], $0x8, s26, s18, $0xb8;
	[tilespmem:$0x16760] =	vst v63  }
0x6c: {  	s24 =	sadd.s32 $0x36B0, s21  }
0x6d: {  	[tilespmem:s17], [sflag:$0x1] =	stream.indirect.gather [hbm4b:s2+s18], $0x8, s24, s18, $0xb8;
	[tilespmem:$0x16760] =	vst v63  }
0x6e: {  	s25 =	sadd.s32 $0x3840, s21  }
0x6f: {  	[tilespmem:s12], [sflag:$0x1] =	stream.indirect.gather [hbm4b:s2+s18], $0x8, s25, s18, $0xb8;
	[tilespmem:$0x16760] =	vst v63  }
0x70: {  	s21 =	sadd.s32 $0x39D0, s21;
	s26 =	smul.u32 $0x1900, s22  }
0x71: {  	[tilespmem:s13], [sflag:$0x1] =	stream.indirect.gather [hbm4b:s2+s18], $0x8, s21, s18, $0xb8;
	[tilespmem:$0x16760] =	vst v63  }
0x72: {  	p0 =	seq.s32 s22, $0xF;
	s21 =	sadd.s32 $0x1, s22  }
0x73: {  	s22 =	sadd.s32 s7, s26;
	s23 =	sand.u32 @!p0 $0x1, s21  }
0x74: {  	p1 =	seq.s32 @!p0 s23, $0x1;
	s23 =	sshrl.u32 @!p0 s22, $0x3  }
0x75: {  	s24 =	simm.s32 @!p0 $0x3B60;
	p1 =	por !p1, p0;
	s23 =	sadd.s32 @!p0 s4, s23  }
0x76: {  	s25 =	simm.s32 @!p0 $0x0;
	s24 =	simm.s32 @p1 $0x2260;
	s23 =	sadd.s32 @!p0 $0x320, s23  }
0x77: {  	[tilespmem:s24], [sflag:$0x2] =	stream.linear.gather @!p0 [hbm4b:s23+s25], $0x1900, $0x38;
	[tilespmem:$0x16760] =	vst v63  }
0x78: {  	s23 =	simm.s32 @!p0 $0x2  }
0x79: {  	_ =	swait.ge @!p0 [sflag:s23], $0x1900  }
0x7a: {  	[sflag:s23] =	ssyncset.done @!p0 $0x0  }
0x7b: {  	[sflag:s23] =	ssyncadd.s32 @!p0 $0xFFFFE700  }
0x7c: {  	_ =	swait.ge [sflag:s1], $0xC80  }
0x7d: {  	[sflag:s1] =	ssyncset.done $0x0  }
0x7e: {  	[sflag:s1] =	ssyncadd.s32 $0xFFFFF380  }
0x7f: {  	_ =	swait.ge [sflag:s1], $0xC80  }
0x80: {  	[sflag:s1] =	ssyncset.done $0x0  }
0x81: {  	[sflag:s1] =	ssyncadd.s32 $0xFFFFF380  }
0x82: {  	_ =	swait.ge [sflag:s1], $0xC80  }
0x83: {  	[sflag:s1] =	ssyncset.done $0x0  }
0x84: {  	[sflag:s1] =	ssyncadd.s32 $0xFFFFF380  }
0x85: {  	_ =	swait.ge [sflag:s1], $0xC80  }
0x86: {  	[sflag:s1] =	ssyncset.done $0x0  }
0x87: {  	[sflag:s1] =	ssyncadd.s32 $0xFFFFF380  }
0x88: {  	_ =	swait.ge [sflag:s1], $0xC80  }
0x89: {  	[sflag:s1] =	ssyncset.done $0x0  }
0x8a: {  	[sflag:s1] =	ssyncadd.s32 $0xFFFFF380  }
0x8b: {  	_ =	swait.ge [sflag:s1], $0xC80  }
0x8c: {  	[sflag:s1] =	ssyncset.done $0x0  }
0x8d: {  	[sflag:s1] =	ssyncadd.s32 $0xFFFFF380  }
0x8e: {  	_ =	swait.ge [sflag:s1], $0xC80  }
0x8f: {  	[sflag:s1] =	ssyncset.done $0x0  }
0x90: {  	[sflag:s1] =	ssyncadd.s32 $0xFFFFF380  }
0x91: {  	_ =	swait.ge [sflag:s1], $0xC80  }
0x92: {  	[sflag:s1] =	ssyncset.done $0x0  }
0x93: {  	[sflag:s1] =	ssyncadd.s32 $0xFFFFF380  }
0x94: {  	_ =	swait.ge [sflag:s1], $0xC80  }
0x95: {  	[sflag:s1] =	ssyncset.done $0x0  }
0x96: {  	[sflag:s1] =	ssyncadd.s32 $0xFFFFF380  }
0x97: {  	_ =	swait.ge [sflag:s1], $0xC80  }
0x98: {  	[sflag:s1] =	ssyncset.done $0x0  }
0x99: {  	[sflag:s1] =	ssyncadd.s32 $0xFFFFF380  }
0x9a: {  	_ =	swait.ge [sflag:s1], $0xC80  }
0x9b: {  	[sflag:s1] =	ssyncset.done $0x0  }
0x9c: {  	[sflag:s1] =	ssyncadd.s32 $0xFFFFF380  }
0x9d: {  	_ =	swait.ge [sflag:s1], $0xC80  }
0x9e: {  	[sflag:s1] =	ssyncset.done $0x0  }
0x9f: {  	[sflag:s1] =	ssyncadd.s32 $0xFFFFF380  }
0xa0: {  	_ =	swait.ge [sflag:s1], $0xC80  }
0xa1: {  	[sflag:s1] =	ssyncset.done $0x0  }
0xa2: {  	[sflag:s1] =	ssyncadd.s32 $0xFFFFF380  }
0xa3: {  	_ =	swait.ge [sflag:s1], $0xC80  }
0xa4: {  	[sflag:s1] =	ssyncset.done $0x0  }
0xa5: {  	v1 =	vmov s20;
	[sflag:s1] =	ssyncadd.s32 $0xFFFFF380  }
0xa6: {  	v1 =	vshll.u32 v1, $0x3;
	_ =	swait.ge [sflag:s1], $0xC80  }
0xa7: {  	v1 =	vor.u32 v0, v1;
	[sflag:s1] =	ssyncset.done $0x0  }
0xa8: {  	[sflag:s1] =	ssyncadd.s32 $0xFFFFF380  }
0xa9: {  	_ =	swait.ge [sflag:s1], $0xC80  }
0xaa: {  	[sflag:s1] =	ssyncset.done $0x0  }
0xab: {  	[sflag:s1] =	ssyncadd.s32 $0xFFFFF380  }
0xac: {  	v2 =	vld.idx.msk [tilespmem:v1+s19+$0x0], $0xffff  }
0xad: {  	v3 =	vor.u32 $0x1, v1;
	_ =	sdelay $0x2  }
0xae: {  	s24 =	simm.s32 $0x11C60  }
0xaf: {  	[tilespmem:s24+$0x0] =	vst v2  }
0xb0: {  	v2 =	vld.idx.msk [tilespmem:v3+s19+$0x0], $0xffff  }
0xb1: {  	v1 =	vor.u32 $0x2, v1;
	_ =	sdelay $0x2  }
0xb2: {  	s26 =	simm.s32 $0x10;
	s25 =	simm.s32 $0x13560  }
0xb3: {  	[tilespmem:s25+$0x0] =	vst v2;
	v2 =	vmov s26  }
0xb4: {  	v1 =	vld.idx.msk [tilespmem:v1+s19+$0x0], $0xffff;
	v2 =	vshll.u32 v2, $0x3  }
0xb5: {  	v2 =	vor.u32 v0, v2;
	_ =	sdelay $0x2  }
0xb6: {  	s23 =	simm.s32 $0x14E60  }
0xb7: {  	[tilespmem:s23+$0x0] =	vst v1  }
0xb8: {  	v1 =	vld.idx.msk [tilespmem:v2+s19+$0x0], $0xffff  }
0xb9: {  	v3 =	vor.u32 $0x1, v2;
	_ =	sdelay $0x2  }
0xba: {  	s24 =	simm.s32 $0x11C70  }
0xbb: {  	[tilespmem:s24+$0x0] =	vst v1  }
0xbc: {  	v1 =	vld.idx.msk [tilespmem:v3+s19+$0x0], $0xffff  }
0xbd: {  	v3 =	vor.u32 $0x2, v2;
	_ =	sdelay $0x2  }
0xbe: {  	s25 =	simm.s32 $0x13570  }
0xbf: {  	s26 =	simm.s32 $0x20;
	[tilespmem:s25+$0x0] =	vst v1  }
0xc0: {  	v2 =	vmov s26;
	s26 =	simm.s32 $0x30;
	v1 =	vld.idx.msk [tilespmem:v3+s19+$0x0], $0xffff  }
.LBB2_9:
0xc1: {  	p0 =	sne.s32 s26, $0x18F0;
	v2 =	vshll.u32 v2, $0x3  }
0xc2: {  	v2 =	vor.u32 v0, v2;
	_ =	sdelay $0x2  }
0xc3: {  	s23 =	sadd.s32 $0x10, s23  }
0xc4: {  	[tilespmem:s23+$0x0] =	vst v1  }
0xc5: {  	v1 =	vld.idx.msk [tilespmem:v2+s19+$0x0], $0xffff;
	_ =	sdelay $0x1  }
0xc6: {  	v3 =	vor.u32 $0x1, v2;
	_ =	sdelay $0x2  }
0xc7: {  	s24 =	sadd.s32 $0x10, s24  }
0xc8: {  	[tilespmem:s24+$0x0] =	vst v1  }
0xc9: {  	v1 =	vld.idx.msk [tilespmem:v3+s19+$0x0], $0xffff;
	_ =	sdelay $0x1  }
0xca: {  	v3 =	vor.u32 $0x2, v2  }
.Ltmp5:
0xcb: {  	(pc) =	sbr.rel @p0 .LBB2_9-.Ltmp5, $4  }
0xcc: {  	_ = 	snop  }
0xcd: {  	s25 =	sadd.s32 $0x10, s25  }
0xce: {  	[tilespmem:s25+$0x0] =	vst v1  }
0xcf: {  	v2 =	vmov s26;
	s26 =	sadd.s32 $0x10, s26;
	v1 =	vld.idx.msk [tilespmem:v3+s19+$0x0], $0xffff  }
0xd0: {  	v2 =	vshll.u32 v2, $0x3  }
0xd1: {  	v2 =	vor.u32 v0, v2;
	_ =	sdelay $0x2  }
0xd2: {  	s23 =	sadd.s32 $0x10, s23  }
0xd3: {  	[tilespmem:s23+$0x0] =	vst v1  }
0xd4: {  	v1 =	vld.idx.msk [tilespmem:v2+s19+$0x0], $0xffff  }
0xd5: {  	v3 =	vor.u32 $0x1, v2;
	_ =	sdelay $0x2  }
0xd6: {  	s24 =	sadd.s32 $0x10, s24  }
0xd7: {  	[tilespmem:s24+$0x0] =	vst v1  }
0xd8: {  	v1 =	vld.idx.msk [tilespmem:v3+s19+$0x0], $0xffff  }
0xd9: {  	v2 =	vor.u32 $0x2, v2;
	_ =	sdelay $0x2  }
0xda: {  	s26 =	sadd.s32 $0x10, s25  }
0xdb: {  	[tilespmem:s26+$0x0] =	vst v1  }
0xdc: {  	v1 =	vld.idx.msk [tilespmem:v2+s19+$0x0], $0xffff;
	_ =	sdelay $0x3  }
0xdd: {  	s22 =	sshrl.u32 s22, $0x3;
	s23 =	sadd.s32 $0x10, s23  }
0xde: {  	s25 =	sadd.s32 s9, s22;
	[tilespmem:s23+$0x0] =	vst v1  }
0xdf: {  	[hbm4b:s25+s3] =	stream.linear.scatter [tilespmem:s5], [sflag:$0x3], $0x1900, $0x38;
	[tilespmem:$0x16760] =	vst v63  }
0xe0: {  	_ =	swait.ge [sflag:s16], $0x1900  }
0xe1: {  	[sflag:s16] =	ssyncset.done $0x0  }
0xe2: {  	s26 =	sadd.s32 s10, s22;
	[sflag:s16] =	ssyncadd.s32 $0xFFFFE700  }
0xe3: {  	[hbm4b:s26+s3] =	stream.linear.scatter [tilespmem:s6], [sflag:$0x3], $0x1900, $0x38;
	[tilespmem:$0x16760] =	vst v63  }
0xe4: {  	_ =	swait.ge [sflag:s16], $0x1900  }
0xe5: {  	p0 =	sne.s32 s21, $0x10;
	[sflag:s16] =	ssyncset.done $0x0  }
.Ltmp6:
0xe6: {  	s22 =	sadd.s32 s11, s22;
	[sflag:s16] =	ssyncadd.s32 $0xFFFFE700;
	(pc) =	sbr.rel @p0 .LBB2_8-.Ltmp6, $4  }
0xe7: {  	[hbm4b:s22+s3] =	stream.linear.scatter [tilespmem:s8], [sflag:$0x3], $0x1900, $0x38;
	[tilespmem:$0x16760] =	vst v63  }
0xe8: {  	_ =	swait.ge [sflag:s16], $0x1900  }
0xe9: {  	[sflag:s16] =	ssyncset.done $0x0  }
0xea: {  	[sflag:s16] =	ssyncadd.s32 $0xFFFFE700  }
0xeb: {  	s21 =	rddreg [dreg:$0x8]  }
0xec: {  	s20 =	rddreg [dreg:$0x7];
	s21 =	sadd.s32 $0x1, s21  }
0xed: {  	p0 =	sne.s32 s21, s20  }
.Ltmp7:
0xee: {  	_ = 	snop;
	(pc) =	sbr.rel @p0 .LBB2_1-.Ltmp7, $2  }
0xef: {  	_ =	sdelay $0x2  }
0xf0: {  	s26 =	stileid.u32  }
0xf1: {  	_ =	sfence.sel $0x180000  }
0xf2: {  	[bflag:$0x0] =	sbarrier.arrive $0xFFFF  }
0xf3: {  	_ =	strace $0x90000047  }
0xf4: {  	[bflag:$0x2] =	sbarrier.arrive $0xFFFF  }
0xf5: {  	p0 =	sne.s32 s26, $0x0;
	s0 =	rddreg [dreg:$0x2]  }
0xf6: {  	s0 =	sadd.s32 @!p0 $0x100000, s0  }
0xf7: {  	[sflag:s0] =	ssyncadd.tile.s32 @!p0 $0x1;
	_ =	shalt  }
.Lfunc_end2:
_tile_overlayer_lowered:
.L_overlay_start_2:
0xf8: {  	(tag) =	ssettag $0x2  }
0xf9: {  	s0 =	rddreg [dreg:$0x0];
	s2 =	stileid.u32  }
0xfa: {  	s1 =	rddreg [dreg:$0x1];
	p0 =	sne.s32 s2, $0x0  }
0xfb: {  	s3 =	rddreg [dreg:$0x2];
	[bflag:$0x3] =	sbarrier.arrive $0xFFFF;
	s2 =	simm.s32 @!p0 $0x1C03  }
0xfc: {  	[timem:s3], [sflag:s2] =	dma.local @!p0 [hbm:s0], s1  }
0xfd: {  	s0 =	simm.s32 @!p0 $0x3  }
0xfe: {  	_ =	swait.ge @!p0 [sflag:s0], s1  }
0xff: {  	s1 =	ssub.s32 @!p0 $0x0, s1;
	[sflag:s0] =	ssyncset.done @!p0 $0x0  }
0x100: {  	[sflag:s0] =	ssyncadd.s32 @!p0 s1  }
0x101: {  	[bflag:$0x3] =	sbarrier.arrive $0xFFFF  }
0x102: {  	_ =	shalt  }

</sc_bundles>
